<compile_context>
chip_gen: v7x
topology: tpu7x:2x2x1
jax: 0.10.2.dev20260603
libtpu: 0.0.44.dev20260713+nightly
codegen_flags: <defaults>
</compile_context>

<pallas_src>
import functools

import jax
import jax.numpy as jnp
from jax import lax
from jax.experimental import pallas as pl
from jax.experimental.pallas import tpu as pltpu
from jax.experimental.pallas import tpu_sc as plsc

_EPS = 1e-5
_IDX_CHUNK = 32


def _prep_body(depth_ref, dw_ref, db_ref, tidx_ref, ttab_ref, tw_ref, tb_ref,
               out_ref):
    x = depth_ref[...]
    mu = jnp.mean(x, axis=-1, keepdims=True)
    xc = x - mu
    var = jnp.mean(xc * xc, axis=-1, keepdims=True)
    d = xc * lax.rsqrt(var + _EPS) * dw_ref[...] + db_ref[...]

    tt = ttab_ref[...]
    row_ids = lax.broadcasted_iota(jnp.int32, tt.shape, 0)
    sel = jnp.where(row_ids == tidx_ref[...], tt, 0.0)
    t = jnp.sum(sel, axis=0, keepdims=True)
    tmu = jnp.mean(t, axis=-1, keepdims=True)
    tc = t - tmu
    tvar = jnp.mean(tc * tc, axis=-1, keepdims=True)
    te = tc * lax.rsqrt(tvar + _EPS) * tw_ref[...] + tb_ref[...]

    v = depth_ref.shape[0]
    out_ref[pl.ds(0, v), :] = jnp.concatenate(
        [d, jnp.broadcast_to(te, d.shape)], axis=-1)


def _make_gather(num_rows_total, table_rows_pad, row_width, nc, ns):
    nw = nc * ns
    rows_per_w = num_rows_total // nw
    n_chunks = rows_per_w // _IDX_CHUNK
    stage_rows = table_rows_pad // ns
    mesh = plsc.VectorSubcoreMesh(core_axis_name="c", subcore_axis_name="s")

    @functools.partial(
        pl.kernel,
        mesh=mesh,
        out_type=jax.ShapeDtypeStruct(
            (nw * n_chunks, _IDX_CHUNK, row_width), jnp.float32),
        scratch_types=[
            pltpu.VMEM_SHARED((table_rows_pad, row_width), jnp.float32),
            pltpu.VMEM((rows_per_w,), jnp.int32),
            pltpu.VMEM((n_chunks, _IDX_CHUNK, row_width), jnp.float32),
            pltpu.SemaphoreType.DMA((n_chunks,)),
            pltpu.SemaphoreType.DMA,
        ],
    )
    def gather_k(ctable_hbm, idx_hbm, out_hbm, table_sp, idx_v, rows_v,
                 gsem, ssem):
        sid = lax.axis_index("s")
        wid = sid * nc + lax.axis_index("c")
        base = wid * n_chunks
        staging = pltpu.async_copy(
            ctable_hbm.at[pl.ds(sid * stage_rows, stage_rows)],
            table_sp.at[pl.ds(sid * stage_rows, stage_rows)], ssem)
        pltpu.sync_copy(idx_hbm.at[pl.ds(wid * rows_per_w, rows_per_w)],
                        idx_v)
        staging.wait()
        plsc.subcore_barrier()
        gathers = [
            pltpu.async_copy(
                table_sp.at[idx_v.at[pl.ds(j * _IDX_CHUNK, _IDX_CHUNK)]],
                rows_v.at[j], gsem.at[j])
            for j in range(n_chunks)
        ]
        stores = []
        for j in range(n_chunks):
            gathers[j].wait()
            stores.append(pltpu.async_copy(
                rows_v.at[j], out_hbm.at[base + j], ssem))
        for st in stores:
            st.wait()

    return gather_k


def kernel(layer_indices, layer_type, depth_table, depth_ln_w, depth_ln_b,
           type_table, type_ln_w, type_ln_b):
    v, d = depth_table.shape
    b = layer_indices.shape[0]
    v_pad = ((v + 127) // 128) * 128

    tidx = jnp.asarray(layer_type, jnp.int32).reshape(1, 1)
    ctable = pl.pallas_call(
        _prep_body,
        out_shape=jax.ShapeDtypeStruct((v_pad, 2 * d), jnp.float32),
    )(depth_table,
      depth_ln_w.reshape(1, d), depth_ln_b.reshape(1, d),
      tidx, type_table, type_ln_w.reshape(1, d), type_ln_b.reshape(1, d))

    info = plsc.get_sparse_core_info()
    nc, ns = info.num_cores, info.num_subcores
    out3d = _make_gather(b, v_pad, 2 * d, nc, ns)(
        ctable, layer_indices.astype(jnp.int32))
    return out3d.reshape(b, 2 * d)

# --- scband reference (transcript-rebuilt; emitter-appended) ---
"""Pipeline reference for scband-cond-embedder-37185826848960 (READ-ONLY COPY).

The authoritative reference and input builder live on the scoring server;
editing this copy changes nothing except your own understanding.
"""

import jax, jax.numpy as jnp
import numpy as np

MAX_NUM_LAYERS = 1000
N_TYPES = 8
COND_DIM = 128
D_HALF = COND_DIM // 2
L = 16384


def _layer_norm(x, w, b, eps=1e-5):
    mu = jnp.mean(x, axis=-1, keepdims=True)
    var = jnp.mean((x - mu) ** 2, axis=-1, keepdims=True)
    return (x - mu) / jnp.sqrt(var + eps) * w + b


def setup_inputs(seed: int = 0) -> dict:
    key = jax.random.key(seed)
    k1, k2, k3 = jax.random.split(key, 3)
    layer_indices = jax.random.randint(k1, (L,), 0, MAX_NUM_LAYERS)
    layer_type = 3  # python int, key into module_to_int = {0:0,...,7:7}
    depth_table = jax.random.normal(k2, (MAX_NUM_LAYERS, D_HALF), dtype=jnp.float32)
    type_table = jax.random.normal(k3, (N_TYPES, D_HALF), dtype=jnp.float32)
    depth_ln_w = jnp.ones((D_HALF,), dtype=jnp.float32)
    depth_ln_b = jnp.zeros((D_HALF,), dtype=jnp.float32)
    type_ln_w = jnp.ones((D_HALF,), dtype=jnp.float32)
    type_ln_b = jnp.zeros((D_HALF,), dtype=jnp.float32)
    return {
        "layer_indices": layer_indices,
        "layer_type": layer_type,
        "depth_table": depth_table,
        "depth_ln_w": depth_ln_w,
        "depth_ln_b": depth_ln_b,
        "type_table": type_table,
        "type_ln_w": type_ln_w,
        "type_ln_b": type_ln_b,
    }


def reference(layer_indices, layer_type, depth_table, depth_ln_w, depth_ln_b, type_table, type_ln_w, type_ln_b):
    # depth embedding: gather + LayerNorm
    depth_e = _layer_norm(jnp.take(depth_table, layer_indices, axis=0), depth_ln_w, depth_ln_b)
    # type embedding: single lookup + LayerNorm, then expand to [L, d_type]
    type_idx = jnp.array([layer_type], dtype=jnp.int32)
    type_e = _layer_norm(jnp.take(type_table, type_idx, axis=0), type_ln_w, type_ln_b)
    type_e = jnp.broadcast_to(type_e, (layer_indices.shape[0], type_e.shape[-1]))
    return jnp.concatenate([depth_e, type_e], axis=-1)

if __name__ == "__main__":
    import jax
    _d = setup_inputs()
    print(jax.jit(kernel)(*tuple(_d.values())))

</pallas_src>

<mosaic_0001>
#map = affine_map<(d0, d1) -> (0, 0)>
#map1 = affine_map<(d0, d1) -> (0)>
#map2 = affine_map<(d0, d1) -> (0, 0, 0)>
module attributes {stable_mosaic.version = 14 : i64} {
  func.func @gather_k(%arg0: i32, %arg1: i32, %arg2: memref<1024x128xf32, #tpu.memory_space<hbm>>, %arg3: memref<16384xi32, #tpu.memory_space<hbm>>, %arg4: memref<512x32x128xf32, #tpu.memory_space<hbm>>, %arg5: memref<1024x128xf32, #tpu.memory_space<vmem_shared>>, %arg6: memref<512xi32, #tpu.memory_space<vmem>>, %arg7: memref<16x32x128xf32, #tpu.memory_space<vmem>>, %arg8: memref<16x!tpu.dma_semaphore, #tpu.memory_space<semaphore_mem>>, %arg9: memref<!tpu.dma_semaphore, #tpu.memory_space<semaphore_mem>>) attributes {dimension_semantics = [#tpu.dimension_semantics<core_parallel>, #tpu.dimension_semantics<subcore_parallel>], iteration_bounds = array<i64: 2, 16>, scalar_prefetch = 0 : i64, scratch_operands = 5 : i64, tpu.core_type = #tpu.core_type<sc_vector_subcore>, window_params = [{transform_indices = #map}, {transform_indices = #map1}, {transform_indices = #map2}]} {
    %mul3A = arith.constant 2 : i32
    %mul3A_0 = arith.muli %arg1, %mul3A : i32
    %add3A = arith.addi %mul3A_0, %arg0 : i32
    %mul3A_1 = arith.constant 16 : i32
    %mul3A_2 = arith.muli %add3A, %mul3A_1 : i32
    %mul3A_3 = arith.constant 64 : i32
    %mul3A_4 = arith.muli %arg1, %mul3A_3 : i32
    %mul3A_5 = arith.constant 64 : i32
    %mul3A_6 = arith.muli %arg1, %mul3A_5 : i32
    %dma_start3A = arith.constant 0 : i32
    %dma_start3A_7 = tpu.memref_slice %arg5[%mul3A_6, %dma_start3A] : memref<1024x128xf32, #tpu.memory_space<vmem_shared>> -> memref<64x128xf32, #tpu.memory_space<vmem_shared>>
    %dma_start3A_8 = arith.constant 0 : i32
    %dma_start3A_9 = tpu.memref_slice %arg2[%mul3A_4, %dma_start3A_8] : memref<1024x128xf32, #tpu.memory_space<hbm>> -> memref<64x128xf32, #tpu.memory_space<hbm>>
    tpu.enqueue_dma source(%dma_start3A_9 : memref<64x128xf32, #tpu.memory_space<hbm>>) target(%dma_start3A_7 : memref<64x128xf32, #tpu.memory_space<vmem_shared>>) target_semaphore(%arg9 : memref<!tpu.dma_semaphore, #tpu.memory_space<semaphore_mem>>)
    %mul3A_10 = arith.constant 512 : i32
    %mul3A_11 = arith.muli %add3A, %mul3A_10 : i32
    "tpu.region"() ({
      %run_scoped3A = tpu.sem_alloc : memref<!tpu.dma_semaphore, #tpu.memory_space<semaphore_mem>>
      %dma_start3A_1007 = tpu.memref_slice %arg3[%mul3A_11] : memref<16384xi32, #tpu.memory_space<hbm>> -> memref<512xi32, #tpu.memory_space<hbm>>
      %dma_start3A_1008 = tpu.memref_slice %arg3[%mul3A_11] : memref<16384xi32, #tpu.memory_space<hbm>> -> memref<512xi32, #tpu.memory_space<hbm>>
      tpu.enqueue_dma source(%dma_start3A_1008 : memref<512xi32, #tpu.memory_space<hbm>>) target(%arg6 : memref<512xi32, #tpu.memory_space<vmem>>) target_semaphore(%run_scoped3A : memref<!tpu.dma_semaphore, #tpu.memory_space<semaphore_mem>>)
      %dma_wait3A_1009 = tpu.memref_slice %arg3[%mul3A_11] : memref<16384xi32, #tpu.memory_space<hbm>> -> memref<512xi32, #tpu.memory_space<hbm>>
      %dma_wait3A_1010 = tpu.memref_slice %arg3[%mul3A_11] : memref<16384xi32, #tpu.memory_space<hbm>> -> memref<512xi32, #tpu.memory_space<hbm>>
      tpu.wait_dma2 semaphore(%run_scoped3A : memref<!tpu.dma_semaphore, #tpu.memory_space<semaphore_mem>>) src(%dma_wait3A_1010 : memref<512xi32, #tpu.memory_space<hbm>>) dst(%arg6 : memref<512xi32, #tpu.memory_space<vmem>>)
      tpu.yield
    }) : () -> ()
    %dma_wait3A = arith.constant 0 : i32
    %dma_wait3A_12 = tpu.memref_slice %arg5[%mul3A_6, %dma_wait3A] : memref<1024x128xf32, #tpu.memory_space<vmem_shared>> -> memref<64x128xf32, #tpu.memory_space<vmem_shared>>
    %dma_wait3A_13 = arith.constant 0 : i32
    %dma_wait3A_14 = tpu.memref_slice %arg2[%mul3A_4, %dma_wait3A_13] : memref<1024x128xf32, #tpu.memory_space<hbm>> -> memref<64x128xf32, #tpu.memory_space<hbm>>
    tpu.wait_dma2 semaphore(%arg9 : memref<!tpu.dma_semaphore, #tpu.memory_space<semaphore_mem>>) src(%dma_wait3A_14 : memref<64x128xf32, #tpu.memory_space<hbm>>) dst(%dma_wait3A_12 : memref<64x128xf32, #tpu.memory_space<vmem_shared>>)
    %barrier3A = arith.constant 0 : index
    tpu.barrier barrier_id(%barrier3A)
    %dma_start3A_15 = arith.constant 0 : i32
    %dma_start3A_16 = arith.constant 0 : i32
    %dma_start3A_17 = arith.constant 0 : i32
    %dma_start3A_18 = arith.constant 0 : i32
    %dma_start3A_19 = tpu.memref_slice %arg7[%dma_start3A_15, %dma_start3A_17, %dma_start3A_18] : memref<16x32x128xf32, #tpu.memory_space<vmem>> -> memref<1x32x128xf32, #tpu.memory_space<vmem>>
    %dma_start3A_20 = tpu.memref_squeeze %dma_start3A_19 : memref<1x32x128xf32, #tpu.memory_space<vmem>> -> memref<32x128xf32, #tpu.memory_space<vmem>>
    %dma_start3A_21 = arith.constant 0 : i32
    %dma_start3A_22 = tpu.memref_slice %arg6[%dma_start3A_21] : memref<512xi32, #tpu.memory_space<vmem>> -> memref<32xi32, #tpu.memory_space<vmem>>
    %dma_start3A_23 = arith.constant 0 : i32
    %dma_start3A_24 = arith.constant 0 : i32
    %dma_start3A_25 = tpu.memref_slice %arg5[%dma_start3A_23, %dma_start3A_24] : memref<1024x128xf32, #tpu.memory_space<vmem_shared>> -> memref<1024x128xf32, #tpu.memory_space<vmem_shared>>
    %dma_start3A_26 = tpu.memref_slice %arg8[%dma_start3A_16] : memref<16x!tpu.dma_semaphore, #tpu.memory_space<semaphore_mem>> -> memref<1x!tpu.dma_semaphore, #tpu.memory_space<semaphore_mem>>
    %dma_start3A_27 = tpu.memref_squeeze %dma_start3A_26 : memref<1x!tpu.dma_semaphore, #tpu.memory_space<semaphore_mem>> -> memref<!tpu.dma_semaphore, #tpu.memory_space<semaphore_mem>>
    tpu.enqueue_indirect_dma source(%dma_start3A_25 : memref<1024x128xf32, #tpu.memory_space<vmem_shared>>) target(%dma_start3A_20 : memref<32x128xf32, #tpu.memory_space<vmem>>) offsets(%dma_start3A_22 : memref<32xi32, #tpu.memory_space<vmem>>) semaphore(%dma_start3A_27 : memref<!tpu.dma_semaphore, #tpu.memory_space<semaphore_mem>>)
    %dma_start3A_28 = arith.constant 1 : i32
    %dma_start3A_29 = arith.constant 1 : i32
    %dma_start3A_30 = arith.constant 0 : i32
    %dma_start3A_31 = arith.constant 0 : i32
    %dma_start3A_32 = tpu.memref_slice %arg7[%dma_start3A_28, %dma_start3A_30, %dma_start3A_31] : memref<16x32x128xf32, #tpu.memory_space<vmem>> -> memref<1x32x128xf32, #tpu.memory_space<vmem>>
    %dma_start3A_33 = tpu.memref_squeeze %dma_start3A_32 : memref<1x32x128xf32, #tpu.memory_space<vmem>> -> memref<32x128xf32, #tpu.memory_space<vmem>>
    %dma_start3A_34 = arith.constant 32 : i32
    %dma_start3A_35 = tpu.memref_slice %arg6[%dma_start3A_34] : memref<512xi32, #tpu.memory_space<vmem>> -> memref<32xi32, #tpu.memory_space<vmem>>
    %dma_start3A_36 = arith.constant 0 : i32
    %dma_start3A_37 = arith.constant 0 : i32
    %dma_start3A_38 = tpu.memref_slice %arg5[%dma_start3A_36, %dma_start3A_37] : memref<1024x128xf32, #tpu.memory_space<vmem_shared>> -> memref<1024x128xf32, #tpu.memory_space<vmem_shared>>
    %dma_start3A_39 = tpu.memref_slice %arg8[%dma_start3A_29] : memref<16x!tpu.dma_semaphore, #tpu.memory_space<semaphore_mem>> -> memref<1x!tpu.dma_semaphore, #tpu.memory_space<semaphore_mem>>
    %dma_start3A_40 = tpu.memref_squeeze %dma_start3A_39 : memref<1x!tpu.dma_semaphore, #tpu.memory_space<semaphore_mem>> -> memref<!tpu.dma_semaphore, #tpu.memory_space<semaphore_mem>>
    tpu.enqueue_indirect_dma source(%dma_start3A_38 : memref<1024x128xf32, #tpu.memory_space<vmem_shared>>) target(%dma_start3A_33 : memref<32x128xf32, #tpu.memory_space<vmem>>) offsets(%dma_start3A_35 : memref<32xi32, #tpu.memory_space<vmem>>) semaphore(%dma_start3A_40 : memref<!tpu.dma_semaphore, #tpu.memory_space<semaphore_mem>>)
    %dma_start3A_41 = arith.constant 2 : i32
    %dma_start3A_42 = arith.constant 2 : i32
    %dma_start3A_43 = arith.constant 0 : i32
    %dma_start3A_44 = arith.constant 0 : i32
    %dma_start3A_45 = tpu.memref_slice %arg7[%dma_start3A_41, %dma_start3A_43, %dma_start3A_44] : memref<16x32x128xf32, #tpu.memory_space<vmem>> -> memref<1x32x128xf32, #tpu.memory_space<vmem>>
    %dma_start3A_46 = tpu.memref_squeeze %dma_start3A_45 : memref<1x32x128xf32, #tpu.memory_space<vmem>> -> memref<32x128xf32, #tpu.memory_space<vmem>>
    %dma_start3A_47 = arith.constant 64 : i32
    %dma_start3A_48 = tpu.memref_slice %arg6[%dma_start3A_47] : memref<512xi32, #tpu.memory_space<vmem>> -> memref<32xi32, #tpu.memory_space<vmem>>
    %dma_start3A_49 = arith.constant 0 : i32
    %dma_start3A_50 = arith.constant 0 : i32
    %dma_start3A_51 = tpu.memref_slice %arg5[%dma_start3A_49, %dma_start3A_50] : memref<1024x128xf32, #tpu.memory_space<vmem_shared>> -> memref<1024x128xf32, #tpu.memory_space<vmem_shared>>
    %dma_start3A_52 = tpu.memref_slice %arg8[%dma_start3A_42] : memref<16x!tpu.dma_semaphore, #tpu.memory_space<semaphore_mem>> -> memref<1x!tpu.dma_semaphore, #tpu.memory_space<semaphore_mem>>
    %dma_start3A_53 = tpu.memref_squeeze %dma_start3A_52 : memref<1x!tpu.dma_semaphore, #tpu.memory_space<semaphore_mem>> -> memref<!tpu.dma_semaphore, #tpu.memory_space<semaphore_mem>>
    tpu.enqueue_indirect_dma source(%dma_start3A_51 : memref<1024x128xf32, #tpu.memory_space<vmem_shared>>) target(%dma_start3A_46 : memref<32x128xf32, #tpu.memory_space<vmem>>) offsets(%dma_start3A_48 : memref<32xi32, #tpu.memory_space<vmem>>) semaphore(%dma_start3A_53 : memref<!tpu.dma_semaphore, #tpu.memory_space<semaphore_mem>>)
    %dma_start3A_54 = arith.constant 3 : i32
    %dma_start3A_55 = arith.constant 3 : i32
    %dma_start3A_56 = arith.constant 0 : i32
    %dma_start3A_57 = arith.constant 0 : i32
    %dma_start3A_58 = tpu.memref_slice %arg7[%dma_start3A_54, %dma_start3A_56, %dma_start3A_57] : memref<16x32x128xf32, #tpu.memory_space<vmem>> -> memref<1x32x128xf32, #tpu.memory_space<vmem>>
    %dma_start3A_59 = tpu.memref_squeeze %dma_start3A_58 : memref<1x32x128xf32, #tpu.memory_space<vmem>> -> memref<32x128xf32, #tpu.memory_space<vmem>>
    %dma_start3A_60 = arith.constant 96 : i32
    %dma_start3A_61 = tpu.memref_slice %arg6[%dma_start3A_60] : memref<512xi32, #tpu.memory_space<vmem>> -> memref<32xi32, #tpu.memory_space<vmem>>
    %dma_start3A_62 = arith.constant 0 : i32
    %dma_start3A_63 = arith.constant 0 : i32
    %dma_start3A_64 = tpu.memref_slice %arg5[%dma_start3A_62, %dma_start3A_63] : memref<1024x128xf32, #tpu.memory_space<vmem_shared>> -> memref<1024x128xf32, #tpu.memory_space<vmem_shared>>
    %dma_start3A_65 = tpu.memref_slice %arg8[%dma_start3A_55] : memref<16x!tpu.dma_semaphore, #tpu.memory_space<semaphore_mem>> -> memref<1x!tpu.dma_semaphore, #tpu.memory_space<semaphore_mem>>
    %dma_start3A_66 = tpu.memref_squeeze %dma_start3A_65 : memref<1x!tpu.dma_semaphore, #tpu.memory_space<semaphore_mem>> -> memref<!tpu.dma_semaphore, #tpu.memory_space<semaphore_mem>>
    tpu.enqueue_indirect_dma source(%dma_start3A_64 : memref<1024x128xf32, #tpu.memory_space<vmem_shared>>) target(%dma_start3A_59 : memref<32x128xf32, #tpu.memory_space<vmem>>) offsets(%dma_start3A_61 : memref<32xi32, #tpu.memory_space<vmem>>) semaphore(%dma_start3A_66 : memref<!tpu.dma_semaphore, #tpu.memory_space<semaphore_mem>>)
    %dma_start3A_67 = arith.constant 4 : i32
    %dma_start3A_68 = arith.constant 4 : i32
    %dma_start3A_69 = arith.constant 0 : i32
    %dma_start3A_70 = arith.constant 0 : i32
    %dma_start3A_71 = tpu.memref_slice %arg7[%dma_start3A_67, %dma_start3A_69, %dma_start3A_70] : memref<16x32x128xf32, #tpu.memory_space<vmem>> -> memref<1x32x128xf32, #tpu.memory_space<vmem>>
    %dma_start3A_72 = tpu.memref_squeeze %dma_start3A_71 : memref<1x32x128xf32, #tpu.memory_space<vmem>> -> memref<32x128xf32, #tpu.memory_space<vmem>>
    %dma_start3A_73 = arith.constant 128 : i32
    %dma_start3A_74 = tpu.memref_slice %arg6[%dma_start3A_73] : memref<512xi32, #tpu.memory_space<vmem>> -> memref<32xi32, #tpu.memory_space<vmem>>
    %dma_start3A_75 = arith.constant 0 : i32
    %dma_start3A_76 = arith.constant 0 : i32
    %dma_start3A_77 = tpu.memref_slice %arg5[%dma_start3A_75, %dma_start3A_76] : memref<1024x128xf32, #tpu.memory_space<vmem_shared>> -> memref<1024x128xf32, #tpu.memory_space<vmem_shared>>
    %dma_start3A_78 = tpu.memref_slice %arg8[%dma_start3A_68] : memref<16x!tpu.dma_semaphore, #tpu.memory_space<semaphore_mem>> -> memref<1x!tpu.dma_semaphore, #tpu.memory_space<semaphore_mem>>
    %dma_start3A_79 = tpu.memref_squeeze %dma_start3A_78 : memref<1x!tpu.dma_semaphore, #tpu.memory_space<semaphore_mem>> -> memref<!tpu.dma_semaphore, #tpu.memory_space<semaphore_mem>>
    tpu.enqueue_indirect_dma source(%dma_start3A_77 : memref<1024x128xf32, #tpu.memory_space<vmem_shared>>) target(%dma_start3A_72 : memref<32x128xf32, #tpu.memory_space<vmem>>) offsets(%dma_start3A_74 : memref<32xi32, #tpu.memory_space<vmem>>) semaphore(%dma_start3A_79 : memref<!tpu.dma_semaphore, #tpu.memory_space<semaphore_mem>>)
    %dma_start3A_80 = arith.constant 5 : i32
    %dma_start3A_81 = arith.constant 5 : i32
    %dma_start3A_82 = arith.constant 0 : i32
    %dma_start3A_83 = arith.constant 0 : i32
    %dma_start3A_84 = tpu.memref_slice %arg7[%dma_start3A_80, %dma_start3A_82, %dma_start3A_83] : memref<16x32x128xf32, #tpu.memory_space<vmem>> -> memref<1x32x128xf32, #tpu.memory_space<vmem>>
    %dma_start3A_85 = tpu.memref_squeeze %dma_start3A_84 : memref<1x32x128xf32, #tpu.memory_space<vmem>> -> memref<32x128xf32, #tpu.memory_space<vmem>>
    %dma_start3A_86 = arith.constant 160 : i32
    %dma_start3A_87 = tpu.memref_slice %arg6[%dma_start3A_86] : memref<512xi32, #tpu.memory_space<vmem>> -> memref<32xi32, #tpu.memory_space<vmem>>
    %dma_start3A_88 = arith.constant 0 : i32
    %dma_start3A_89 = arith.constant 0 : i32
    %dma_start3A_90 = tpu.memref_slice %arg5[%dma_start3A_88, %dma_start3A_89] : memref<1024x128xf32, #tpu.memory_space<vmem_shared>> -> memref<1024x128xf32, #tpu.memory_space<vmem_shared>>
    %dma_start3A_91 = tpu.memref_slice %arg8[%dma_start3A_81] : memref<16x!tpu.dma_semaphore, #tpu.memory_space<semaphore_mem>> -> memref<1x!tpu.dma_semaphore, #tpu.memory_space<semaphore_mem>>
    %dma_start3A_92 = tpu.memref_squeeze %dma_start3A_91 : memref<1x!tpu.dma_semaphore, #tpu.memory_space<semaphore_mem>> -> memref<!tpu.dma_semaphore, #tpu.memory_space<semaphore_mem>>
    tpu.enqueue_indirect_dma source(%dma_start3A_90 : memref<1024x128xf32, #tpu.memory_space<vmem_shared>>) target(%dma_start3A_85 : memref<32x128xf32, #tpu.memory_space<vmem>>) offsets(%dma_start3A_87 : memref<32xi32, #tpu.memory_space<vmem>>) semaphore(%dma_start3A_92 : memref<!tpu.dma_semaphore, #tpu.memory_space<semaphore_mem>>)
    %dma_start3A_93 = arith.constant 6 : i32
    %dma_start3A_94 = arith.constant 6 : i32
    %dma_start3A_95 = arith.constant 0 : i32
    %dma_start3A_96 = arith.constant 0 : i32
    %dma_start3A_97 = tpu.memref_slice %arg7[%dma_start3A_93, %dma_start3A_95, %dma_start3A_96] : memref<16x32x128xf32, #tpu.memory_space<vmem>> -> memref<1x32x128xf32, #tpu.memory_space<vmem>>
    %dma_start3A_98 = tpu.memref_squeeze %dma_start3A_97 : memref<1x32x128xf32, #tpu.memory_space<vmem>> -> memref<32x128xf32, #tpu.memory_space<vmem>>
    %dma_start3A_99 = arith.constant 192 : i32
    %dma_start3A_100 = tpu.memref_slice %arg6[%dma_start3A_99] : memref<512xi32, #tpu.memory_space<vmem>> -> memref<32xi32, #tpu.memory_space<vmem>>
    %dma_start3A_101 = arith.constant 0 : i32
    %dma_start3A_102 = arith.constant 0 : i32
    %dma_start3A_103 = tpu.memref_slice %arg5[%dma_start3A_101, %dma_start3A_102] : memref<1024x128xf32, #tpu.memory_space<vmem_shared>> -> memref<1024x128xf32, #tpu.memory_space<vmem_shared>>
    %dma_start3A_104 = tpu.memref_slice %arg8[%dma_start3A_94] : memref<16x!tpu.dma_semaphore, #tpu.memory_space<semaphore_mem>> -> memref<1x!tpu.dma_semaphore, #tpu.memory_space<semaphore_mem>>
    %dma_start3A_105 = tpu.memref_squeeze %dma_start3A_104 : memref<1x!tpu.dma_semaphore, #tpu.memory_space<semaphore_mem>> -> memref<!tpu.dma_semaphore, #tpu.memory_space<semaphore_mem>>
    tpu.enqueue_indirect_dma source(%dma_start3A_103 : memref<1024x128xf32, #tpu.memory_space<vmem_shared>>) target(%dma_start3A_98 : memref<32x128xf32, #tpu.memory_space<vmem>>) offsets(%dma_start3A_100 : memref<32xi32, #tpu.memory_space<vmem>>) semaphore(%dma_start3A_105 : memref<!tpu.dma_semaphore, #tpu.memory_space<semaphore_mem>>)
    %dma_start3A_106 = arith.constant 7 : i32
    %dma_start3A_107 = arith.constant 7 : i32
    %dma_start3A_108 = arith.constant 0 : i32
    %dma_start3A_109 = arith.constant 0 : i32
    %dma_start3A_110 = tpu.memref_slice %arg7[%dma_start3A_106, %dma_start3A_108, %dma_start3A_109] : memref<16x32x128xf32, #tpu.memory_space<vmem>> -> memref<1x32x128xf32, #tpu.memory_space<vmem>>
    %dma_start3A_111 = tpu.memref_squeeze %dma_start3A_110 : memref<1x32x128xf32, #tpu.memory_space<vmem>> -> memref<32x128xf32, #tpu.memory_space<vmem>>
    %dma_start3A_112 = arith.constant 224 : i32
    %dma_start3A_113 = tpu.memref_slice %arg6[%dma_start3A_112] : memref<512xi32, #tpu.memory_space<vmem>> -> memref<32xi32, #tpu.memory_space<vmem>>
    %dma_start3A_114 = arith.constant 0 : i32
    %dma_start3A_115 = arith.constant 0 : i32
    %dma_start3A_116 = tpu.memref_slice %arg5[%dma_start3A_114, %dma_start3A_115] : memref<1024x128xf32, #tpu.memory_space<vmem_shared>> -> memref<1024x128xf32, #tpu.memory_space<vmem_shared>>
    %dma_start3A_117 = tpu.memref_slice %arg8[%dma_start3A_107] : memref<16x!tpu.dma_semaphore, #tpu.memory_space<semaphore_mem>> -> memref<1x!tpu.dma_semaphore, #tpu.memory_space<semaphore_mem>>
    %dma_start3A_118 = tpu.memref_squeeze %dma_start3A_117 : memref<1x!tpu.dma_semaphore, #tpu.memory_space<semaphore_mem>> -> memref<!tpu.dma_semaphore, #tpu.memory_space<semaphore_mem>>
    tpu.enqueue_indirect_dma source(%dma_start3A_116 : memref<1024x128xf32, #tpu.memory_space<vmem_shared>>) target(%dma_start3A_111 : memref<32x128xf32, #tpu.memory_space<vmem>>) offsets(%dma_start3A_113 : memref<32xi32, #tpu.memory_space<vmem>>) semaphore(%dma_start3A_118 : memref<!tpu.dma_semaphore, #tpu.memory_space<semaphore_mem>>)
    %dma_start3A_119 = arith.constant 8 : i32
    %dma_start3A_120 = arith.constant 8 : i32
    %dma_start3A_121 = arith.constant 0 : i32
    %dma_start3A_122 = arith.constant 0 : i32
    %dma_start3A_123 = tpu.memref_slice %arg7[%dma_start3A_119, %dma_start3A_121, %dma_start3A_122] : memref<16x32x128xf32, #tpu.memory_space<vmem>> -> memref<1x32x128xf32, #tpu.memory_space<vmem>>
    %dma_start3A_124 = tpu.memref_squeeze %dma_start3A_123 : memref<1x32x128xf32, #tpu.memory_space<vmem>> -> memref<32x128xf32, #tpu.memory_space<vmem>>
    %dma_start3A_125 = arith.constant 256 : i32
    %dma_start3A_126 = tpu.memref_slice %arg6[%dma_start3A_125] : memref<512xi32, #tpu.memory_space<vmem>> -> memref<32xi32, #tpu.memory_space<vmem>>
    %dma_start3A_127 = arith.constant 0 : i32
    %dma_start3A_128 = arith.constant 0 : i32
    %dma_start3A_129 = tpu.memref_slice %arg5[%dma_start3A_127, %dma_start3A_128] : memref<1024x128xf32, #tpu.memory_space<vmem_shared>> -> memref<1024x128xf32, #tpu.memory_space<vmem_shared>>
    %dma_start3A_130 = tpu.memref_slice %arg8[%dma_start3A_120] : memref<16x!tpu.dma_semaphore, #tpu.memory_space<semaphore_mem>> -> memref<1x!tpu.dma_semaphore, #tpu.memory_space<semaphore_mem>>
    %dma_start3A_131 = tpu.memref_squeeze %dma_start3A_130 : memref<1x!tpu.dma_semaphore, #tpu.memory_space<semaphore_mem>> -> memref<!tpu.dma_semaphore, #tpu.memory_space<semaphore_mem>>
    tpu.enqueue_indirect_dma source(%dma_start3A_129 : memref<1024x128xf32, #tpu.memory_space<vmem_shared>>) target(%dma_start3A_124 : memref<32x128xf32, #tpu.memory_space<vmem>>) offsets(%dma_start3A_126 : memref<32xi32, #tpu.memory_space<vmem>>) semaphore(%dma_start3A_131 : memref<!tpu.dma_semaphore, #tpu.memory_space<semaphore_mem>>)
    %dma_start3A_132 = arith.constant 9 : i32
    %dma_start3A_133 = arith.constant 9 : i32
    %dma_start3A_134 = arith.constant 0 : i32
    %dma_start3A_135 = arith.constant 0 : i32
    %dma_start3A_136 = tpu.memref_slice %arg7[%dma_start3A_132, %dma_start3A_134, %dma_start3A_135] : memref<16x32x128xf32, #tpu.memory_space<vmem>> -> memref<1x32x128xf32, #tpu.memory_space<vmem>>
    %dma_start3A_137 = tpu.memref_squeeze %dma_start3A_136 : memref<1x32x128xf32, #tpu.memory_space<vmem>> -> memref<32x128xf32, #tpu.memory_space<vmem>>
    %dma_start3A_138 = arith.constant 288 : i32
    %dma_start3A_139 = tpu.memref_slice %arg6[%dma_start3A_138] : memref<512xi32, #tpu.memory_space<vmem>> -> memref<32xi32, #tpu.memory_space<vmem>>
    %dma_start3A_140 = arith.constant 0 : i32
    %dma_start3A_141 = arith.constant 0 : i32
    %dma_start3A_142 = tpu.memref_slice %arg5[%dma_start3A_140, %dma_start3A_141] : memref<1024x128xf32, #tpu.memory_space<vmem_shared>> -> memref<1024x128xf32, #tpu.memory_space<vmem_shared>>
    %dma_start3A_143 = tpu.memref_slice %arg8[%dma_start3A_133] : memref<16x!tpu.dma_semaphore, #tpu.memory_space<semaphore_mem>> -> memref<1x!tpu.dma_semaphore, #tpu.memory_space<semaphore_mem>>
    %dma_start3A_144 = tpu.memref_squeeze %dma_start3A_143 : memref<1x!tpu.dma_semaphore, #tpu.memory_space<semaphore_mem>> -> memref<!tpu.dma_semaphore, #tpu.memory_space<semaphore_mem>>
    tpu.enqueue_indirect_dma source(%dma_start3A_142 : memref<1024x128xf32, #tpu.memory_space<vmem_shared>>) target(%dma_start3A_137 : memref<32x128xf32, #tpu.memory_space<vmem>>) offsets(%dma_start3A_139 : memref<32xi32, #tpu.memory_space<vmem>>) semaphore(%dma_start3A_144 : memref<!tpu.dma_semaphore, #tpu.memory_space<semaphore_mem>>)
    %dma_start3A_145 = arith.constant 10 : i32
    %dma_start3A_146 = arith.constant 10 : i32
    %dma_start3A_147 = arith.constant 0 : i32
    %dma_start3A_148 = arith.constant 0 : i32
    %dma_start3A_149 = tpu.memref_slice %arg7[%dma_start3A_145, %dma_start3A_147, %dma_start3A_148] : memref<16x32x128xf32, #tpu.memory_space<vmem>> -> memref<1x32x128xf32, #tpu.memory_space<vmem>>
    %dma_start3A_150 = tpu.memref_squeeze %dma_start3A_149 : memref<1x32x128xf32, #tpu.memory_space<vmem>> -> memref<32x128xf32, #tpu.memory_space<vmem>>
    %dma_start3A_151 = arith.constant 320 : i32
    %dma_start3A_152 = tpu.memref_slice %arg6[%dma_start3A_151] : memref<512xi32, #tpu.memory_space<vmem>> -> memref<32xi32, #tpu.memory_space<vmem>>
    %dma_start3A_153 = arith.constant 0 : i32
    %dma_start3A_154 = arith.constant 0 : i32
    %dma_start3A_155 = tpu.memref_slice %arg5[%dma_start3A_153, %dma_start3A_154] : memref<1024x128xf32, #tpu.memory_space<vmem_shared>> -> memref<1024x128xf32, #tpu.memory_space<vmem_shared>>
    %dma_start3A_156 = tpu.memref_slice %arg8[%dma_start3A_146] : memref<16x!tpu.dma_semaphore, #tpu.memory_space<semaphore_mem>> -> memref<1x!tpu.dma_semaphore, #tpu.memory_space<semaphore_mem>>
    %dma_start3A_157 = tpu.memref_squeeze %dma_start3A_156 : memref<1x!tpu.dma_semaphore, #tpu.memory_space<semaphore_mem>> -> memref<!tpu.dma_semaphore, #tpu.memory_space<semaphore_mem>>
    tpu.enqueue_indirect_dma source(%dma_start3A_155 : memref<1024x128xf32, #tpu.memory_space<vmem_shared>>) target(%dma_start3A_150 : memref<32x128xf32, #tpu.memory_space<vmem>>) offsets(%dma_start3A_152 : memref<32xi32, #tpu.memory_space<vmem>>) semaphore(%dma_start3A_157 : memref<!tpu.dma_semaphore, #tpu.memory_space<semaphore_mem>>)
    %dma_start3A_158 = arith.constant 11 : i32
    %dma_start3A_159 = arith.constant 11 : i32
    %dma_start3A_160 = arith.constant 0 : i32
    %dma_start3A_161 = arith.constant 0 : i32
    %dma_start3A_162 = tpu.memref_slice %arg7[%dma_start3A_158, %dma_start3A_160, %dma_start3A_161] : memref<16x32x128xf32, #tpu.memory_space<vmem>> -> memref<1x32x128xf32, #tpu.memory_space<vmem>>
    %dma_start3A_163 = tpu.memref_squeeze %dma_start3A_162 : memref<1x32x128xf32, #tpu.memory_space<vmem>> -> memref<32x128xf32, #tpu.memory_space<vmem>>
    %dma_start3A_164 = arith.constant 352 : i32
    %dma_start3A_165 = tpu.memref_slice %arg6[%dma_start3A_164] : memref<512xi32, #tpu.memory_space<vmem>> -> memref<32xi32, #tpu.memory_space<vmem>>
    %dma_start3A_166 = arith.constant 0 : i32
    %dma_start3A_167 = arith.constant 0 : i32
    %dma_start3A_168 = tpu.memref_slice %arg5[%dma_start3A_166, %dma_start3A_167] : memref<1024x128xf32, #tpu.memory_space<vmem_shared>> -> memref<1024x128xf32, #tpu.memory_space<vmem_shared>>
    %dma_start3A_169 = tpu.memref_slice %arg8[%dma_start3A_159] : memref<16x!tpu.dma_semaphore, #tpu.memory_space<semaphore_mem>> -> memref<1x!tpu.dma_semaphore, #tpu.memory_space<semaphore_mem>>
    %dma_start3A_170 = tpu.memref_squeeze %dma_start3A_169 : memref<1x!tpu.dma_semaphore, #tpu.memory_space<semaphore_mem>> -> memref<!tpu.dma_semaphore, #tpu.memory_space<semaphore_mem>>
    tpu.enqueue_indirect_dma source(%dma_start3A_168 : memref<1024x128xf32, #tpu.memory_space<vmem_shared>>) target(%dma_start3A_163 : memref<32x128xf32, #tpu.memory_space<vmem>>) offsets(%dma_start3A_165 : memref<32xi32, #tpu.memory_space<vmem>>) semaphore(%dma_start3A_170 : memref<!tpu.dma_semaphore, #tpu.memory_space<semaphore_mem>>)
    %dma_start3A_171 = arith.constant 12 : i32
    %dma_start3A_172 = arith.constant 12 : i32
    %dma_start3A_173 = arith.constant 0 : i32
    %dma_start3A_174 = arith.constant 0 : i32
    %dma_start3A_175 = tpu.memref_slice %arg7[%dma_start3A_171, %dma_start3A_173, %dma_start3A_174] : memref<16x32x128xf32, #tpu.memory_space<vmem>> -> memref<1x32x128xf32, #tpu.memory_space<vmem>>
    %dma_start3A_176 = tpu.memref_squeeze %dma_start3A_175 : memref<1x32x128xf32, #tpu.memory_space<vmem>> -> memref<32x128xf32, #tpu.memory_space<vmem>>
    %dma_start3A_177 = arith.constant 384 : i32
    %dma_start3A_178 = tpu.memref_slice %arg6[%dma_start3A_177] : memref<512xi32, #tpu.memory_space<vmem>> -> memref<32xi32, #tpu.memory_space<vmem>>
    %dma_start3A_179 = arith.constant 0 : i32
    %dma_start3A_180 = arith.constant 0 : i32
    %dma_start3A_181 = tpu.memref_slice %arg5[%dma_start3A_179, %dma_start3A_180] : memref<1024x128xf32, #tpu.memory_space<vmem_shared>> -> memref<1024x128xf32, #tpu.memory_space<vmem_shared>>
    %dma_start3A_182 = tpu.memref_slice %arg8[%dma_start3A_172] : memref<16x!tpu.dma_semaphore, #tpu.memory_space<semaphore_mem>> -> memref<1x!tpu.dma_semaphore, #tpu.memory_space<semaphore_mem>>
    %dma_start3A_183 = tpu.memref_squeeze %dma_start3A_182 : memref<1x!tpu.dma_semaphore, #tpu.memory_space<semaphore_mem>> -> memref<!tpu.dma_semaphore, #tpu.memory_space<semaphore_mem>>
    tpu.enqueue_indirect_dma source(%dma_start3A_181 : memref<1024x128xf32, #tpu.memory_space<vmem_shared>>) target(%dma_start3A_176 : memref<32x128xf32, #tpu.memory_space<vmem>>) offsets(%dma_start3A_178 : memref<32xi32, #tpu.memory_space<vmem>>) semaphore(%dma_start3A_183 : memref<!tpu.dma_semaphore, #tpu.memory_space<semaphore_mem>>)
    %dma_start3A_184 = arith.constant 13 : i32
    %dma_start3A_185 = arith.constant 13 : i32
    %dma_start3A_186 = arith.constant 0 : i32
    %dma_start3A_187 = arith.constant 0 : i32
    %dma_start3A_188 = tpu.memref_slice %arg7[%dma_start3A_184, %dma_start3A_186, %dma_start3A_187] : memref<16x32x128xf32, #tpu.memory_space<vmem>> -> memref<1x32x128xf32, #tpu.memory_space<vmem>>
    %dma_start3A_189 = tpu.memref_squeeze %dma_start3A_188 : memref<1x32x128xf32, #tpu.memory_space<vmem>> -> memref<32x128xf32, #tpu.memory_space<vmem>>
    %dma_start3A_190 = arith.constant 416 : i32
    %dma_start3A_191 = tpu.memref_slice %arg6[%dma_start3A_190] : memref<512xi32, #tpu.memory_space<vmem>> -> memref<32xi32, #tpu.memory_space<vmem>>
    %dma_start3A_192 = arith.constant 0 : i32
    %dma_start3A_193 = arith.constant 0 : i32
    %dma_start3A_194 = tpu.memref_slice %arg5[%dma_start3A_192, %dma_start3A_193] : memref<1024x128xf32, #tpu.memory_space<vmem_shared>> -> memref<1024x128xf32, #tpu.memory_space<vmem_shared>>
    %dma_start3A_195 = tpu.memref_slice %arg8[%dma_start3A_185] : memref<16x!tpu.dma_semaphore, #tpu.memory_space<semaphore_mem>> -> memref<1x!tpu.dma_semaphore, #tpu.memory_space<semaphore_mem>>
    %dma_start3A_196 = tpu.memref_squeeze %dma_start3A_195 : memref<1x!tpu.dma_semaphore, #tpu.memory_space<semaphore_mem>> -> memref<!tpu.dma_semaphore, #tpu.memory_space<semaphore_mem>>
    tpu.enqueue_indirect_dma source(%dma_start3A_194 : memref<1024x128xf32, #tpu.memory_space<vmem_shared>>) target(%dma_start3A_189 : memref<32x128xf32, #tpu.memory_space<vmem>>) offsets(%dma_start3A_191 : memref<32xi32, #tpu.memory_space<vmem>>) semaphore(%dma_start3A_196 : memref<!tpu.dma_semaphore, #tpu.memory_space<semaphore_mem>>)
    %dma_start3A_197 = arith.constant 14 : i32
    %dma_start3A_198 = arith.constant 14 : i32
    %dma_start3A_199 = arith.constant 0 : i32
    %dma_start3A_200 = arith.constant 0 : i32
    %dma_start3A_201 = tpu.memref_slice %arg7[%dma_start3A_197, %dma_start3A_199, %dma_start3A_200] : memref<16x32x128xf32, #tpu.memory_space<vmem>> -> memref<1x32x128xf32, #tpu.memory_space<vmem>>
    %dma_start3A_202 = tpu.memref_squeeze %dma_start3A_201 : memref<1x32x128xf32, #tpu.memory_space<vmem>> -> memref<32x128xf32, #tpu.memory_space<vmem>>
    %dma_start3A_203 = arith.constant 448 : i32
    %dma_start3A_204 = tpu.memref_slice %arg6[%dma_start3A_203] : memref<512xi32, #tpu.memory_space<vmem>> -> memref<32xi32, #tpu.memory_space<vmem>>
    %dma_start3A_205 = arith.constant 0 : i32
    %dma_start3A_206 = arith.constant 0 : i32
    %dma_start3A_207 = tpu.memref_slice %arg5[%dma_start3A_205, %dma_start3A_206] : memref<1024x128xf32, #tpu.memory_space<vmem_shared>> -> memref<1024x128xf32, #tpu.memory_space<vmem_shared>>
    %dma_start3A_208 = tpu.memref_slice %arg8[%dma_start3A_198] : memref<16x!tpu.dma_semaphore, #tpu.memory_space<semaphore_mem>> -> memref<1x!tpu.dma_semaphore, #tpu.memory_space<semaphore_mem>>
    %dma_start3A_209 = tpu.memref_squeeze %dma_start3A_208 : memref<1x!tpu.dma_semaphore, #tpu.memory_space<semaphore_mem>> -> memref<!tpu.dma_semaphore, #tpu.memory_space<semaphore_mem>>
    tpu.enqueue_indirect_dma source(%dma_start3A_207 : memref<1024x128xf32, #tpu.memory_space<vmem_shared>>) target(%dma_start3A_202 : memref<32x128xf32, #tpu.memory_space<vmem>>) offsets(%dma_start3A_204 : memref<32xi32, #tpu.memory_space<vmem>>) semaphore(%dma_start3A_209 : memref<!tpu.dma_semaphore, #tpu.memory_space<semaphore_mem>>)
    %dma_start3A_210 = arith.constant 15 : i32
    %dma_start3A_211 = arith.constant 15 : i32
    %dma_start3A_212 = arith.constant 0 : i32
    %dma_start3A_213 = arith.constant 0 : i32
    %dma_start3A_214 = tpu.memref_slice %arg7[%dma_start3A_210, %dma_start3A_212, %dma_start3A_213] : memref<16x32x128xf32, #tpu.memory_space<vmem>> -> memref<1x32x128xf32, #tpu.memory_space<vmem>>
    %dma_start3A_215 = tpu.memref_squeeze %dma_start3A_214 : memref<1x32x128xf32, #tpu.memory_space<vmem>> -> memref<32x128xf32, #tpu.memory_space<vmem>>
    %dma_start3A_216 = arith.constant 480 : i32
    %dma_start3A_217 = tpu.memref_slice %arg6[%dma_start3A_216] : memref<512xi32, #tpu.memory_space<vmem>> -> memref<32xi32, #tpu.memory_space<vmem>>
    %dma_start3A_218 = arith.constant 0 : i32
    %dma_start3A_219 = arith.constant 0 : i32
    %dma_start3A_220 = tpu.memref_slice %arg5[%dma_start3A_218, %dma_start3A_219] : memref<1024x128xf32, #tpu.memory_space<vmem_shared>> -> memref<1024x128xf32, #tpu.memory_space<vmem_shared>>
    %dma_start3A_221 = tpu.memref_slice %arg8[%dma_start3A_211] : memref<16x!tpu.dma_semaphore, #tpu.memory_space<semaphore_mem>> -> memref<1x!tpu.dma_semaphore, #tpu.memory_space<semaphore_mem>>
    %dma_start3A_222 = tpu.memref_squeeze %dma_start3A_221 : memref<1x!tpu.dma_semaphore, #tpu.memory_space<semaphore_mem>> -> memref<!tpu.dma_semaphore, #tpu.memory_space<semaphore_mem>>
    tpu.enqueue_indirect_dma source(%dma_start3A_220 : memref<1024x128xf32, #tpu.memory_space<vmem_shared>>) target(%dma_start3A_215 : memref<32x128xf32, #tpu.memory_space<vmem>>) offsets(%dma_start3A_217 : memref<32xi32, #tpu.memory_space<vmem>>) semaphore(%dma_start3A_222 : memref<!tpu.dma_semaphore, #tpu.memory_space<semaphore_mem>>)
    %dma_wait3A_223 = arith.constant 0 : i32
    %dma_wait3A_224 = arith.constant 0 : i32
    %dma_wait3A_225 = arith.constant 0 : i32
    %dma_wait3A_226 = arith.constant 0 : i32
    %dma_wait3A_227 = tpu.memref_slice %arg7[%dma_wait3A_223, %dma_wait3A_225, %dma_wait3A_226] : memref<16x32x128xf32, #tpu.memory_space<vmem>> -> memref<1x32x128xf32, #tpu.memory_space<vmem>>
    %dma_wait3A_228 = tpu.memref_squeeze %dma_wait3A_227 : memref<1x32x128xf32, #tpu.memory_space<vmem>> -> memref<32x128xf32, #tpu.memory_space<vmem>>
    %dma_wait3A_229 = arith.constant 0 : i32
    %dma_wait3A_230 = tpu.memref_slice %arg6[%dma_wait3A_229] : memref<512xi32, #tpu.memory_space<vmem>> -> memref<32xi32, #tpu.memory_space<vmem>>
    %dma_wait3A_231 = arith.constant 0 : i32
    %dma_wait3A_232 = arith.constant 0 : i32
    %dma_wait3A_233 = tpu.memref_slice %arg5[%dma_wait3A_231, %dma_wait3A_232] : memref<1024x128xf32, #tpu.memory_space<vmem_shared>> -> memref<1024x128xf32, #tpu.memory_space<vmem_shared>>
    %dma_wait3A_234 = tpu.memref_slice %arg8[%dma_wait3A_224] : memref<16x!tpu.dma_semaphore, #tpu.memory_space<semaphore_mem>> -> memref<1x!tpu.dma_semaphore, #tpu.memory_space<semaphore_mem>>
    %dma_wait3A_235 = tpu.memref_squeeze %dma_wait3A_234 : memref<1x!tpu.dma_semaphore, #tpu.memory_space<semaphore_mem>> -> memref<!tpu.dma_semaphore, #tpu.memory_space<semaphore_mem>>
    tpu.wait_indirect_dma semaphore(%dma_wait3A_235 : memref<!tpu.dma_semaphore, #tpu.memory_space<semaphore_mem>>) src(%dma_wait3A_233 : memref<1024x128xf32, #tpu.memory_space<vmem_shared>>) dst(%dma_wait3A_228 : memref<32x128xf32, #tpu.memory_space<vmem>>)
    %add3A_236 = arith.constant 0 : i32
    %add3A_237 = arith.addi %mul3A_2, %add3A_236 : i32
    %dma_start3A_238 = arith.constant 0 : i32
    %dma_start3A_239 = arith.constant 0 : i32
    %dma_start3A_240 = arith.constant 0 : i32
    %dma_start3A_241 = tpu.memref_slice %arg7[%dma_start3A_238, %dma_start3A_239, %dma_start3A_240] : memref<16x32x128xf32, #tpu.memory_space<vmem>> -> memref<1x32x128xf32, #tpu.memory_space<vmem>>
    %dma_start3A_242 = tpu.memref_squeeze %dma_start3A_241 : memref<1x32x128xf32, #tpu.memory_space<vmem>> -> memref<32x128xf32, #tpu.memory_space<vmem>>
    %dma_start3A_243 = arith.constant 0 : i32
    %dma_start3A_244 = arith.constant 0 : i32
    %dma_start3A_245 = tpu.memref_slice %arg4[%add3A_237, %dma_start3A_243, %dma_start3A_244] : memref<512x32x128xf32, #tpu.memory_space<hbm>> -> memref<1x32x128xf32, #tpu.memory_space<hbm>>
    %dma_start3A_246 = tpu.memref_squeeze %dma_start3A_245 : memref<1x32x128xf32, #tpu.memory_space<hbm>> -> memref<32x128xf32, #tpu.memory_space<hbm>>
    %dma_start3A_247 = arith.constant 0 : i32
    %dma_start3A_248 = arith.constant 0 : i32
    %dma_start3A_249 = tpu.memref_slice %arg4[%add3A_237, %dma_start3A_247, %dma_start3A_248] : memref<512x32x128xf32, #tpu.memory_space<hbm>> -> memref<1x32x128xf32, #tpu.memory_space<hbm>>
    %dma_start3A_250 = tpu.memref_squeeze %dma_start3A_249 : memref<1x32x128xf32, #tpu.memory_space<hbm>> -> memref<32x128xf32, #tpu.memory_space<hbm>>
    %dma_start3A_251 = arith.constant 0 : i32
    %dma_start3A_252 = arith.constant 0 : i32
    %dma_start3A_253 = tpu.memref_slice %arg7[%dma_start3A_238, %dma_start3A_251, %dma_start3A_252] : memref<16x32x128xf32, #tpu.memory_space<vmem>> -> memref<1x32x128xf32, #tpu.memory_space<vmem>>
    %dma_start3A_254 = tpu.memref_squeeze %dma_start3A_253 : memref<1x32x128xf32, #tpu.memory_space<vmem>> -> memref<32x128xf32, #tpu.memory_space<vmem>>
    tpu.enqueue_dma source(%dma_start3A_254 : memref<32x128xf32, #tpu.memory_space<vmem>>) target(%dma_start3A_250 : memref<32x128xf32, #tpu.memory_space<hbm>>) target_semaphore(%arg9 : memref<!tpu.dma_semaphore, #tpu.memory_space<semaphore_mem>>)
    %dma_wait3A_255 = arith.constant 1 : i32
    %dma_wait3A_256 = arith.constant 1 : i32
    %dma_wait3A_257 = arith.constant 0 : i32
    %dma_wait3A_258 = arith.constant 0 : i32
    %dma_wait3A_259 = tpu.memref_slice %arg7[%dma_wait3A_255, %dma_wait3A_257, %dma_wait3A_258] : memref<16x32x128xf32, #tpu.memory_space<vmem>> -> memref<1x32x128xf32, #tpu.memory_space<vmem>>
    %dma_wait3A_260 = tpu.memref_squeeze %dma_wait3A_259 : memref<1x32x128xf32, #tpu.memory_space<vmem>> -> memref<32x128xf32, #tpu.memory_space<vmem>>
    %dma_wait3A_261 = arith.constant 32 : i32
    %dma_wait3A_262 = tpu.memref_slice %arg6[%dma_wait3A_261] : memref<512xi32, #tpu.memory_space<vmem>> -> memref<32xi32, #tpu.memory_space<vmem>>
    %dma_wait3A_263 = arith.constant 0 : i32
    %dma_wait3A_264 = arith.constant 0 : i32
    %dma_wait3A_265 = tpu.memref_slice %arg5[%dma_wait3A_263, %dma_wait3A_264] : memref<1024x128xf32, #tpu.memory_space<vmem_shared>> -> memref<1024x128xf32, #tpu.memory_space<vmem_shared>>
    %dma_wait3A_266 = tpu.memref_slice %arg8[%dma_wait3A_256] : memref<16x!tpu.dma_semaphore, #tpu.memory_space<semaphore_mem>> -> memref<1x!tpu.dma_semaphore, #tpu.memory_space<semaphore_mem>>
    %dma_wait3A_267 = tpu.memref_squeeze %dma_wait3A_266 : memref<1x!tpu.dma_semaphore, #tpu.memory_space<semaphore_mem>> -> memref<!tpu.dma_semaphore, #tpu.memory_space<semaphore_mem>>
    tpu.wait_indirect_dma semaphore(%dma_wait3A_267 : memref<!tpu.dma_semaphore, #tpu.memory_space<semaphore_mem>>) src(%dma_wait3A_265 : memref<1024x128xf32, #tpu.memory_space<vmem_shared>>) dst(%dma_wait3A_260 : memref<32x128xf32, #tpu.memory_space<vmem>>)
    %add3A_268 = arith.constant 1 : i32
    %add3A_269 = arith.addi %mul3A_2, %add3A_268 : i32
    %dma_start3A_270 = arith.constant 1 : i32
    %dma_start3A_271 = arith.constant 0 : i32
    %dma_start3A_272 = arith.constant 0 : i32
    %dma_start3A_273 = tpu.memref_slice %arg7[%dma_start3A_270, %dma_start3A_271, %dma_start3A_272] : memref<16x32x128xf32, #tpu.memory_space<vmem>> -> memref<1x32x128xf32, #tpu.memory_space<vmem>>
    %dma_start3A_274 = tpu.memref_squeeze %dma_start3A_273 : memref<1x32x128xf32, #tpu.memory_space<vmem>> -> memref<32x128xf32, #tpu.memory_space<vmem>>
    %dma_start3A_275 = arith.constant 0 : i32
    %dma_start3A_276 = arith.constant 0 : i32
    %dma_start3A_277 = tpu.memref_slice %arg4[%add3A_269, %dma_start3A_275, %dma_start3A_276] : memref<512x32x128xf32, #tpu.memory_space<hbm>> -> memref<1x32x128xf32, #tpu.memory_space<hbm>>
    %dma_start3A_278 = tpu.memref_squeeze %dma_start3A_277 : memref<1x32x128xf32, #tpu.memory_space<hbm>> -> memref<32x128xf32, #tpu.memory_space<hbm>>
    %dma_start3A_279 = arith.constant 0 : i32
    %dma_start3A_280 = arith.constant 0 : i32
    %dma_start3A_281 = tpu.memref_slice %arg4[%add3A_269, %dma_start3A_279, %dma_start3A_280] : memref<512x32x128xf32, #tpu.memory_space<hbm>> -> memref<1x32x128xf32, #tpu.memory_space<hbm>>
    %dma_start3A_282 = tpu.memref_squeeze %dma_start3A_281 : memref<1x32x128xf32, #tpu.memory_space<hbm>> -> memref<32x128xf32, #tpu.memory_space<hbm>>
    %dma_start3A_283 = arith.constant 0 : i32
    %dma_start3A_284 = arith.constant 0 : i32
    %dma_start3A_285 = tpu.memref_slice %arg7[%dma_start3A_270, %dma_start3A_283, %dma_start3A_284] : memref<16x32x128xf32, #tpu.memory_space<vmem>> -> memref<1x32x128xf32, #tpu.memory_space<vmem>>
    %dma_start3A_286 = tpu.memref_squeeze %dma_start3A_285 : memref<1x32x128xf32, #tpu.memory_space<vmem>> -> memref<32x128xf32, #tpu.memory_space<vmem>>
    tpu.enqueue_dma source(%dma_start3A_286 : memref<32x128xf32, #tpu.memory_space<vmem>>) target(%dma_start3A_282 : memref<32x128xf32, #tpu.memory_space<hbm>>) target_semaphore(%arg9 : memref<!tpu.dma_semaphore, #tpu.memory_space<semaphore_mem>>)
    %dma_wait3A_287 = arith.constant 2 : i32
    %dma_wait3A_288 = arith.constant 2 : i32
    %dma_wait3A_289 = arith.constant 0 : i32
    %dma_wait3A_290 = arith.constant 0 : i32
    %dma_wait3A_291 = tpu.memref_slice %arg7[%dma_wait3A_287, %dma_wait3A_289, %dma_wait3A_290] : memref<16x32x128xf32, #tpu.memory_space<vmem>> -> memref<1x32x128xf32, #tpu.memory_space<vmem>>
    %dma_wait3A_292 = tpu.memref_squeeze %dma_wait3A_291 : memref<1x32x128xf32, #tpu.memory_space<vmem>> -> memref<32x128xf32, #tpu.memory_space<vmem>>
    %dma_wait3A_293 = arith.constant 64 : i32
    %dma_wait3A_294 = tpu.memref_slice %arg6[%dma_wait3A_293] : memref<512xi32, #tpu.memory_space<vmem>> -> memref<32xi32, #tpu.memory_space<vmem>>
    %dma_wait3A_295 = arith.constant 0 : i32
    %dma_wait3A_296 = arith.constant 0 : i32
    %dma_wait3A_297 = tpu.memref_slice %arg5[%dma_wait3A_295, %dma_wait3A_296] : memref<1024x128xf32, #tpu.memory_space<vmem_shared>> -> memref<1024x128xf32, #tpu.memory_space<vmem_shared>>
    %dma_wait3A_298 = tpu.memref_slice %arg8[%dma_wait3A_288] : memref<16x!tpu.dma_semaphore, #tpu.memory_space<semaphore_mem>> -> memref<1x!tpu.dma_semaphore, #tpu.memory_space<semaphore_mem>>
    %dma_wait3A_299 = tpu.memref_squeeze %dma_wait3A_298 : memref<1x!tpu.dma_semaphore, #tpu.memory_space<semaphore_mem>> -> memref<!tpu.dma_semaphore, #tpu.memory_space<semaphore_mem>>
    tpu.wait_indirect_dma semaphore(%dma_wait3A_299 : memref<!tpu.dma_semaphore, #tpu.memory_space<semaphore_mem>>) src(%dma_wait3A_297 : memref<1024x128xf32, #tpu.memory_space<vmem_shared>>) dst(%dma_wait3A_292 : memref<32x128xf32, #tpu.memory_space<vmem>>)
    %add3A_300 = arith.constant 2 : i32
    %add3A_301 = arith.addi %mul3A_2, %add3A_300 : i32
    %dma_start3A_302 = arith.constant 2 : i32
    %dma_start3A_303 = arith.constant 0 : i32
    %dma_start3A_304 = arith.constant 0 : i32
    %dma_start3A_305 = tpu.memref_slice %arg7[%dma_start3A_302, %dma_start3A_303, %dma_start3A_304] : memref<16x32x128xf32, #tpu.memory_space<vmem>> -> memref<1x32x128xf32, #tpu.memory_space<vmem>>
    %dma_start3A_306 = tpu.memref_squeeze %dma_start3A_305 : memref<1x32x128xf32, #tpu.memory_space<vmem>> -> memref<32x128xf32, #tpu.memory_space<vmem>>
    %dma_start3A_307 = arith.constant 0 : i32
    %dma_start3A_308 = arith.constant 0 : i32
    %dma_start3A_309 = tpu.memref_slice %arg4[%add3A_301, %dma_start3A_307, %dma_start3A_308] : memref<512x32x128xf32, #tpu.memory_space<hbm>> -> memref<1x32x128xf32, #tpu.memory_space<hbm>>
    %dma_start3A_310 = tpu.memref_squeeze %dma_start3A_309 : memref<1x32x128xf32, #tpu.memory_space<hbm>> -> memref<32x128xf32, #tpu.memory_space<hbm>>
    %dma_start3A_311 = arith.constant 0 : i32
    %dma_start3A_312 = arith.constant 0 : i32
    %dma_start3A_313 = tpu.memref_slice %arg4[%add3A_301, %dma_start3A_311, %dma_start3A_312] : memref<512x32x128xf32, #tpu.memory_space<hbm>> -> memref<1x32x128xf32, #tpu.memory_space<hbm>>
    %dma_start3A_314 = tpu.memref_squeeze %dma_start3A_313 : memref<1x32x128xf32, #tpu.memory_space<hbm>> -> memref<32x128xf32, #tpu.memory_space<hbm>>
    %dma_start3A_315 = arith.constant 0 : i32
    %dma_start3A_316 = arith.constant 0 : i32
    %dma_start3A_317 = tpu.memref_slice %arg7[%dma_start3A_302, %dma_start3A_315, %dma_start3A_316] : memref<16x32x128xf32, #tpu.memory_space<vmem>> -> memref<1x32x128xf32, #tpu.memory_space<vmem>>
    %dma_start3A_318 = tpu.memref_squeeze %dma_start3A_317 : memref<1x32x128xf32, #tpu.memory_space<vmem>> -> memref<32x128xf32, #tpu.memory_space<vmem>>
    tpu.enqueue_dma source(%dma_start3A_318 : memref<32x128xf32, #tpu.memory_space<vmem>>) target(%dma_start3A_314 : memref<32x128xf32, #tpu.memory_space<hbm>>) target_semaphore(%arg9 : memref<!tpu.dma_semaphore, #tpu.memory_space<semaphore_mem>>)
    %dma_wait3A_319 = arith.constant 3 : i32
    %dma_wait3A_320 = arith.constant 3 : i32
    %dma_wait3A_321 = arith.constant 0 : i32
    %dma_wait3A_322 = arith.constant 0 : i32
    %dma_wait3A_323 = tpu.memref_slice %arg7[%dma_wait3A_319, %dma_wait3A_321, %dma_wait3A_322] : memref<16x32x128xf32, #tpu.memory_space<vmem>> -> memref<1x32x128xf32, #tpu.memory_space<vmem>>
    %dma_wait3A_324 = tpu.memref_squeeze %dma_wait3A_323 : memref<1x32x128xf32, #tpu.memory_space<vmem>> -> memref<32x128xf32, #tpu.memory_space<vmem>>
    %dma_wait3A_325 = arith.constant 96 : i32
    %dma_wait3A_326 = tpu.memref_slice %arg6[%dma_wait3A_325] : memref<512xi32, #tpu.memory_space<vmem>> -> memref<32xi32, #tpu.memory_space<vmem>>
    %dma_wait3A_327 = arith.constant 0 : i32
    %dma_wait3A_328 = arith.constant 0 : i32
    %dma_wait3A_329 = tpu.memref_slice %arg5[%dma_wait3A_327, %dma_wait3A_328] : memref<1024x128xf32, #tpu.memory_space<vmem_shared>> -> memref<1024x128xf32, #tpu.memory_space<vmem_shared>>
    %dma_wait3A_330 = tpu.memref_slice %arg8[%dma_wait3A_320] : memref<16x!tpu.dma_semaphore, #tpu.memory_space<semaphore_mem>> -> memref<1x!tpu.dma_semaphore, #tpu.memory_space<semaphore_mem>>
    %dma_wait3A_331 = tpu.memref_squeeze %dma_wait3A_330 : memref<1x!tpu.dma_semaphore, #tpu.memory_space<semaphore_mem>> -> memref<!tpu.dma_semaphore, #tpu.memory_space<semaphore_mem>>
    tpu.wait_indirect_dma semaphore(%dma_wait3A_331 : memref<!tpu.dma_semaphore, #tpu.memory_space<semaphore_mem>>) src(%dma_wait3A_329 : memref<1024x128xf32, #tpu.memory_space<vmem_shared>>) dst(%dma_wait3A_324 : memref<32x128xf32, #tpu.memory_space<vmem>>)
    %add3A_332 = arith.constant 3 : i32
    %add3A_333 = arith.addi %mul3A_2, %add3A_332 : i32
    %dma_start3A_334 = arith.constant 3 : i32
    %dma_start3A_335 = arith.constant 0 : i32
    %dma_start3A_336 = arith.constant 0 : i32
    %dma_start3A_337 = tpu.memref_slice %arg7[%dma_start3A_334, %dma_start3A_335, %dma_start3A_336] : memref<16x32x128xf32, #tpu.memory_space<vmem>> -> memref<1x32x128xf32, #tpu.memory_space<vmem>>
    %dma_start3A_338 = tpu.memref_squeeze %dma_start3A_337 : memref<1x32x128xf32, #tpu.memory_space<vmem>> -> memref<32x128xf32, #tpu.memory_space<vmem>>
    %dma_start3A_339 = arith.constant 0 : i32
    %dma_start3A_340 = arith.constant 0 : i32
    %dma_start3A_341 = tpu.memref_slice %arg4[%add3A_333, %dma_start3A_339, %dma_start3A_340] : memref<512x32x128xf32, #tpu.memory_space<hbm>> -> memref<1x32x128xf32, #tpu.memory_space<hbm>>
    %dma_start3A_342 = tpu.memref_squeeze %dma_start3A_341 : memref<1x32x128xf32, #tpu.memory_space<hbm>> -> memref<32x128xf32, #tpu.memory_space<hbm>>
    %dma_start3A_343 = arith.constant 0 : i32
    %dma_start3A_344 = arith.constant 0 : i32
    %dma_start3A_345 = tpu.memref_slice %arg4[%add3A_333, %dma_start3A_343, %dma_start3A_344] : memref<512x32x128xf32, #tpu.memory_space<hbm>> -> memref<1x32x128xf32, #tpu.memory_space<hbm>>
    %dma_start3A_346 = tpu.memref_squeeze %dma_start3A_345 : memref<1x32x128xf32, #tpu.memory_space<hbm>> -> memref<32x128xf32, #tpu.memory_space<hbm>>
    %dma_start3A_347 = arith.constant 0 : i32
    %dma_start3A_348 = arith.constant 0 : i32
    %dma_start3A_349 = tpu.memref_slice %arg7[%dma_start3A_334, %dma_start3A_347, %dma_start3A_348] : memref<16x32x128xf32, #tpu.memory_space<vmem>> -> memref<1x32x128xf32, #tpu.memory_space<vmem>>
    %dma_start3A_350 = tpu.memref_squeeze %dma_start3A_349 : memref<1x32x128xf32, #tpu.memory_space<vmem>> -> memref<32x128xf32, #tpu.memory_space<vmem>>
    tpu.enqueue_dma source(%dma_start3A_350 : memref<32x128xf32, #tpu.memory_space<vmem>>) target(%dma_start3A_346 : memref<32x128xf32, #tpu.memory_space<hbm>>) target_semaphore(%arg9 : memref<!tpu.dma_semaphore, #tpu.memory_space<semaphore_mem>>)
    %dma_wait3A_351 = arith.constant 4 : i32
    %dma_wait3A_352 = arith.constant 4 : i32
    %dma_wait3A_353 = arith.constant 0 : i32
    %dma_wait3A_354 = arith.constant 0 : i32
    %dma_wait3A_355 = tpu.memref_slice %arg7[%dma_wait3A_351, %dma_wait3A_353, %dma_wait3A_354] : memref<16x32x128xf32, #tpu.memory_space<vmem>> -> memref<1x32x128xf32, #tpu.memory_space<vmem>>
    %dma_wait3A_356 = tpu.memref_squeeze %dma_wait3A_355 : memref<1x32x128xf32, #tpu.memory_space<vmem>> -> memref<32x128xf32, #tpu.memory_space<vmem>>
    %dma_wait3A_357 = arith.constant 128 : i32
    %dma_wait3A_358 = tpu.memref_slice %arg6[%dma_wait3A_357] : memref<512xi32, #tpu.memory_space<vmem>> -> memref<32xi32, #tpu.memory_space<vmem>>
    %dma_wait3A_359 = arith.constant 0 : i32
    %dma_wait3A_360 = arith.constant 0 : i32
    %dma_wait3A_361 = tpu.memref_slice %arg5[%dma_wait3A_359, %dma_wait3A_360] : memref<1024x128xf32, #tpu.memory_space<vmem_shared>> -> memref<1024x128xf32, #tpu.memory_space<vmem_shared>>
    %dma_wait3A_362 = tpu.memref_slice %arg8[%dma_wait3A_352] : memref<16x!tpu.dma_semaphore, #tpu.memory_space<semaphore_mem>> -> memref<1x!tpu.dma_semaphore, #tpu.memory_space<semaphore_mem>>
    %dma_wait3A_363 = tpu.memref_squeeze %dma_wait3A_362 : memref<1x!tpu.dma_semaphore, #tpu.memory_space<semaphore_mem>> -> memref<!tpu.dma_semaphore, #tpu.memory_space<semaphore_mem>>
    tpu.wait_indirect_dma semaphore(%dma_wait3A_363 : memref<!tpu.dma_semaphore, #tpu.memory_space<semaphore_mem>>) src(%dma_wait3A_361 : memref<1024x128xf32, #tpu.memory_space<vmem_shared>>) dst(%dma_wait3A_356 : memref<32x128xf32, #tpu.memory_space<vmem>>)
    %add3A_364 = arith.constant 4 : i32
    %add3A_365 = arith.addi %mul3A_2, %add3A_364 : i32
    %dma_start3A_366 = arith.constant 4 : i32
    %dma_start3A_367 = arith.constant 0 : i32
    %dma_start3A_368 = arith.constant 0 : i32
    %dma_start3A_369 = tpu.memref_slice %arg7[%dma_start3A_366, %dma_start3A_367, %dma_start3A_368] : memref<16x32x128xf32, #tpu.memory_space<vmem>> -> memref<1x32x128xf32, #tpu.memory_space<vmem>>
    %dma_start3A_370 = tpu.memref_squeeze %dma_start3A_369 : memref<1x32x128xf32, #tpu.memory_space<vmem>> -> memref<32x128xf32, #tpu.memory_space<vmem>>
    %dma_start3A_371 = arith.constant 0 : i32
    %dma_start3A_372 = arith.constant 0 : i32
    %dma_start3A_373 = tpu.memref_slice %arg4[%add3A_365, %dma_start3A_371, %dma_start3A_372] : memref<512x32x128xf32, #tpu.memory_space<hbm>> -> memref<1x32x128xf32, #tpu.memory_space<hbm>>
    %dma_start3A_374 = tpu.memref_squeeze %dma_start3A_373 : memref<1x32x128xf32, #tpu.memory_space<hbm>> -> memref<32x128xf32, #tpu.memory_space<hbm>>
    %dma_start3A_375 = arith.constant 0 : i32
    %dma_start3A_376 = arith.constant 0 : i32
    %dma_start3A_377 = tpu.memref_slice %arg4[%add3A_365, %dma_start3A_375, %dma_start3A_376] : memref<512x32x128xf32, #tpu.memory_space<hbm>> -> memref<1x32x128xf32, #tpu.memory_space<hbm>>
    %dma_start3A_378 = tpu.memref_squeeze %dma_start3A_377 : memref<1x32x128xf32, #tpu.memory_space<hbm>> -> memref<32x128xf32, #tpu.memory_space<hbm>>
    %dma_start3A_379 = arith.constant 0 : i32
    %dma_start3A_380 = arith.constant 0 : i32
    %dma_start3A_381 = tpu.memref_slice %arg7[%dma_start3A_366, %dma_start3A_379, %dma_start3A_380] : memref<16x32x128xf32, #tpu.memory_space<vmem>> -> memref<1x32x128xf32, #tpu.memory_space<vmem>>
    %dma_start3A_382 = tpu.memref_squeeze %dma_start3A_381 : memref<1x32x128xf32, #tpu.memory_space<vmem>> -> memref<32x128xf32, #tpu.memory_space<vmem>>
    tpu.enqueue_dma source(%dma_start3A_382 : memref<32x128xf32, #tpu.memory_space<vmem>>) target(%dma_start3A_378 : memref<32x128xf32, #tpu.memory_space<hbm>>) target_semaphore(%arg9 : memref<!tpu.dma_semaphore, #tpu.memory_space<semaphore_mem>>)
    %dma_wait3A_383 = arith.constant 5 : i32
    %dma_wait3A_384 = arith.constant 5 : i32
    %dma_wait3A_385 = arith.constant 0 : i32
    %dma_wait3A_386 = arith.constant 0 : i32
    %dma_wait3A_387 = tpu.memref_slice %arg7[%dma_wait3A_383, %dma_wait3A_385, %dma_wait3A_386] : memref<16x32x128xf32, #tpu.memory_space<vmem>> -> memref<1x32x128xf32, #tpu.memory_space<vmem>>
    %dma_wait3A_388 = tpu.memref_squeeze %dma_wait3A_387 : memref<1x32x128xf32, #tpu.memory_space<vmem>> -> memref<32x128xf32, #tpu.memory_space<vmem>>
    %dma_wait3A_389 = arith.constant 160 : i32
    %dma_wait3A_390 = tpu.memref_slice %arg6[%dma_wait3A_389] : memref<512xi32, #tpu.memory_space<vmem>> -> memref<32xi32, #tpu.memory_space<vmem>>
    %dma_wait3A_391 = arith.constant 0 : i32
    %dma_wait3A_392 = arith.constant 0 : i32
    %dma_wait3A_393 = tpu.memref_slice %arg5[%dma_wait3A_391, %dma_wait3A_392] : memref<1024x128xf32, #tpu.memory_space<vmem_shared>> -> memref<1024x128xf32, #tpu.memory_space<vmem_shared>>
    %dma_wait3A_394 = tpu.memref_slice %arg8[%dma_wait3A_384] : memref<16x!tpu.dma_semaphore, #tpu.memory_space<semaphore_mem>> -> memref<1x!tpu.dma_semaphore, #tpu.memory_space<semaphore_mem>>
    %dma_wait3A_395 = tpu.memref_squeeze %dma_wait3A_394 : memref<1x!tpu.dma_semaphore, #tpu.memory_space<semaphore_mem>> -> memref<!tpu.dma_semaphore, #tpu.memory_space<semaphore_mem>>
    tpu.wait_indirect_dma semaphore(%dma_wait3A_395 : memref<!tpu.dma_semaphore, #tpu.memory_space<semaphore_mem>>) src(%dma_wait3A_393 : memref<1024x128xf32, #tpu.memory_space<vmem_shared>>) dst(%dma_wait3A_388 : memref<32x128xf32, #tpu.memory_space<vmem>>)
    %add3A_396 = arith.constant 5 : i32
    %add3A_397 = arith.addi %mul3A_2, %add3A_396 : i32
    %dma_start3A_398 = arith.constant 5 : i32
    %dma_start3A_399 = arith.constant 0 : i32
    %dma_start3A_400 = arith.constant 0 : i32
    %dma_start3A_401 = tpu.memref_slice %arg7[%dma_start3A_398, %dma_start3A_399, %dma_start3A_400] : memref<16x32x128xf32, #tpu.memory_space<vmem>> -> memref<1x32x128xf32, #tpu.memory_space<vmem>>
    %dma_start3A_402 = tpu.memref_squeeze %dma_start3A_401 : memref<1x32x128xf32, #tpu.memory_space<vmem>> -> memref<32x128xf32, #tpu.memory_space<vmem>>
    %dma_start3A_403 = arith.constant 0 : i32
    %dma_start3A_404 = arith.constant 0 : i32
    %dma_start3A_405 = tpu.memref_slice %arg4[%add3A_397, %dma_start3A_403, %dma_start3A_404] : memref<512x32x128xf32, #tpu.memory_space<hbm>> -> memref<1x32x128xf32, #tpu.memory_space<hbm>>
    %dma_start3A_406 = tpu.memref_squeeze %dma_start3A_405 : memref<1x32x128xf32, #tpu.memory_space<hbm>> -> memref<32x128xf32, #tpu.memory_space<hbm>>
    %dma_start3A_407 = arith.constant 0 : i32
    %dma_start3A_408 = arith.constant 0 : i32
    %dma_start3A_409 = tpu.memref_slice %arg4[%add3A_397, %dma_start3A_407, %dma_start3A_408] : memref<512x32x128xf32, #tpu.memory_space<hbm>> -> memref<1x32x128xf32, #tpu.memory_space<hbm>>
    %dma_start3A_410 = tpu.memref_squeeze %dma_start3A_409 : memref<1x32x128xf32, #tpu.memory_space<hbm>> -> memref<32x128xf32, #tpu.memory_space<hbm>>
    %dma_start3A_411 = arith.constant 0 : i32
    %dma_start3A_412 = arith.constant 0 : i32
    %dma_start3A_413 = tpu.memref_slice %arg7[%dma_start3A_398, %dma_start3A_411, %dma_start3A_412] : memref<16x32x128xf32, #tpu.memory_space<vmem>> -> memref<1x32x128xf32, #tpu.memory_space<vmem>>
    %dma_start3A_414 = tpu.memref_squeeze %dma_start3A_413 : memref<1x32x128xf32, #tpu.memory_space<vmem>> -> memref<32x128xf32, #tpu.memory_space<vmem>>
    tpu.enqueue_dma source(%dma_start3A_414 : memref<32x128xf32, #tpu.memory_space<vmem>>) target(%dma_start3A_410 : memref<32x128xf32, #tpu.memory_space<hbm>>) target_semaphore(%arg9 : memref<!tpu.dma_semaphore, #tpu.memory_space<semaphore_mem>>)
    %dma_wait3A_415 = arith.constant 6 : i32
    %dma_wait3A_416 = arith.constant 6 : i32
    %dma_wait3A_417 = arith.constant 0 : i32
    %dma_wait3A_418 = arith.constant 0 : i32
    %dma_wait3A_419 = tpu.memref_slice %arg7[%dma_wait3A_415, %dma_wait3A_417, %dma_wait3A_418] : memref<16x32x128xf32, #tpu.memory_space<vmem>> -> memref<1x32x128xf32, #tpu.memory_space<vmem>>
    %dma_wait3A_420 = tpu.memref_squeeze %dma_wait3A_419 : memref<1x32x128xf32, #tpu.memory_space<vmem>> -> memref<32x128xf32, #tpu.memory_space<vmem>>
    %dma_wait3A_421 = arith.constant 192 : i32
    %dma_wait3A_422 = tpu.memref_slice %arg6[%dma_wait3A_421] : memref<512xi32, #tpu.memory_space<vmem>> -> memref<32xi32, #tpu.memory_space<vmem>>
    %dma_wait3A_423 = arith.constant 0 : i32
    %dma_wait3A_424 = arith.constant 0 : i32
    %dma_wait3A_425 = tpu.memref_slice %arg5[%dma_wait3A_423, %dma_wait3A_424] : memref<1024x128xf32, #tpu.memory_space<vmem_shared>> -> memref<1024x128xf32, #tpu.memory_space<vmem_shared>>
    %dma_wait3A_426 = tpu.memref_slice %arg8[%dma_wait3A_416] : memref<16x!tpu.dma_semaphore, #tpu.memory_space<semaphore_mem>> -> memref<1x!tpu.dma_semaphore, #tpu.memory_space<semaphore_mem>>
    %dma_wait3A_427 = tpu.memref_squeeze %dma_wait3A_426 : memref<1x!tpu.dma_semaphore, #tpu.memory_space<semaphore_mem>> -> memref<!tpu.dma_semaphore, #tpu.memory_space<semaphore_mem>>
    tpu.wait_indirect_dma semaphore(%dma_wait3A_427 : memref<!tpu.dma_semaphore, #tpu.memory_space<semaphore_mem>>) src(%dma_wait3A_425 : memref<1024x128xf32, #tpu.memory_space<vmem_shared>>) dst(%dma_wait3A_420 : memref<32x128xf32, #tpu.memory_space<vmem>>)
    %add3A_428 = arith.constant 6 : i32
    %add3A_429 = arith.addi %mul3A_2, %add3A_428 : i32
    %dma_start3A_430 = arith.constant 6 : i32
    %dma_start3A_431 = arith.constant 0 : i32
    %dma_start3A_432 = arith.constant 0 : i32
    %dma_start3A_433 = tpu.memref_slice %arg7[%dma_start3A_430, %dma_start3A_431, %dma_start3A_432] : memref<16x32x128xf32, #tpu.memory_space<vmem>> -> memref<1x32x128xf32, #tpu.memory_space<vmem>>
    %dma_start3A_434 = tpu.memref_squeeze %dma_start3A_433 : memref<1x32x128xf32, #tpu.memory_space<vmem>> -> memref<32x128xf32, #tpu.memory_space<vmem>>
    %dma_start3A_435 = arith.constant 0 : i32
    %dma_start3A_436 = arith.constant 0 : i32
    %dma_start3A_437 = tpu.memref_slice %arg4[%add3A_429, %dma_start3A_435, %dma_start3A_436] : memref<512x32x128xf32, #tpu.memory_space<hbm>> -> memref<1x32x128xf32, #tpu.memory_space<hbm>>
    %dma_start3A_438 = tpu.memref_squeeze %dma_start3A_437 : memref<1x32x128xf32, #tpu.memory_space<hbm>> -> memref<32x128xf32, #tpu.memory_space<hbm>>
    %dma_start3A_439 = arith.constant 0 : i32
    %dma_start3A_440 = arith.constant 0 : i32
    %dma_start3A_441 = tpu.memref_slice %arg4[%add3A_429, %dma_start3A_439, %dma_start3A_440] : memref<512x32x128xf32, #tpu.memory_space<hbm>> -> memref<1x32x128xf32, #tpu.memory_space<hbm>>
    %dma_start3A_442 = tpu.memref_squeeze %dma_start3A_441 : memref<1x32x128xf32, #tpu.memory_space<hbm>> -> memref<32x128xf32, #tpu.memory_space<hbm>>
    %dma_start3A_443 = arith.constant 0 : i32
    %dma_start3A_444 = arith.constant 0 : i32
    %dma_start3A_445 = tpu.memref_slice %arg7[%dma_start3A_430, %dma_start3A_443, %dma_start3A_444] : memref<16x32x128xf32, #tpu.memory_space<vmem>> -> memref<1x32x128xf32, #tpu.memory_space<vmem>>
    %dma_start3A_446 = tpu.memref_squeeze %dma_start3A_445 : memref<1x32x128xf32, #tpu.memory_space<vmem>> -> memref<32x128xf32, #tpu.memory_space<vmem>>
    tpu.enqueue_dma source(%dma_start3A_446 : memref<32x128xf32, #tpu.memory_space<vmem>>) target(%dma_start3A_442 : memref<32x128xf32, #tpu.memory_space<hbm>>) target_semaphore(%arg9 : memref<!tpu.dma_semaphore, #tpu.memory_space<semaphore_mem>>)
    %dma_wait3A_447 = arith.constant 7 : i32
    %dma_wait3A_448 = arith.constant 7 : i32
    %dma_wait3A_449 = arith.constant 0 : i32
    %dma_wait3A_450 = arith.constant 0 : i32
    %dma_wait3A_451 = tpu.memref_slice %arg7[%dma_wait3A_447, %dma_wait3A_449, %dma_wait3A_450] : memref<16x32x128xf32, #tpu.memory_space<vmem>> -> memref<1x32x128xf32, #tpu.memory_space<vmem>>
    %dma_wait3A_452 = tpu.memref_squeeze %dma_wait3A_451 : memref<1x32x128xf32, #tpu.memory_space<vmem>> -> memref<32x128xf32, #tpu.memory_space<vmem>>
    %dma_wait3A_453 = arith.constant 224 : i32
    %dma_wait3A_454 = tpu.memref_slice %arg6[%dma_wait3A_453] : memref<512xi32, #tpu.memory_space<vmem>> -> memref<32xi32, #tpu.memory_space<vmem>>
    %dma_wait3A_455 = arith.constant 0 : i32
    %dma_wait3A_456 = arith.constant 0 : i32
    %dma_wait3A_457 = tpu.memref_slice %arg5[%dma_wait3A_455, %dma_wait3A_456] : memref<1024x128xf32, #tpu.memory_space<vmem_shared>> -> memref<1024x128xf32, #tpu.memory_space<vmem_shared>>
    %dma_wait3A_458 = tpu.memref_slice %arg8[%dma_wait3A_448] : memref<16x!tpu.dma_semaphore, #tpu.memory_space<semaphore_mem>> -> memref<1x!tpu.dma_semaphore, #tpu.memory_space<semaphore_mem>>
    %dma_wait3A_459 = tpu.memref_squeeze %dma_wait3A_458 : memref<1x!tpu.dma_semaphore, #tpu.memory_space<semaphore_mem>> -> memref<!tpu.dma_semaphore, #tpu.memory_space<semaphore_mem>>
    tpu.wait_indirect_dma semaphore(%dma_wait3A_459 : memref<!tpu.dma_semaphore, #tpu.memory_space<semaphore_mem>>) src(%dma_wait3A_457 : memref<1024x128xf32, #tpu.memory_space<vmem_shared>>) dst(%dma_wait3A_452 : memref<32x128xf32, #tpu.memory_space<vmem>>)
    %add3A_460 = arith.constant 7 : i32
    %add3A_461 = arith.addi %mul3A_2, %add3A_460 : i32
    %dma_start3A_462 = arith.constant 7 : i32
    %dma_start3A_463 = arith.constant 0 : i32
    %dma_start3A_464 = arith.constant 0 : i32
    %dma_start3A_465 = tpu.memref_slice %arg7[%dma_start3A_462, %dma_start3A_463, %dma_start3A_464] : memref<16x32x128xf32, #tpu.memory_space<vmem>> -> memref<1x32x128xf32, #tpu.memory_space<vmem>>
    %dma_start3A_466 = tpu.memref_squeeze %dma_start3A_465 : memref<1x32x128xf32, #tpu.memory_space<vmem>> -> memref<32x128xf32, #tpu.memory_space<vmem>>
    %dma_start3A_467 = arith.constant 0 : i32
    %dma_start3A_468 = arith.constant 0 : i32
    %dma_start3A_469 = tpu.memref_slice %arg4[%add3A_461, %dma_start3A_467, %dma_start3A_468] : memref<512x32x128xf32, #tpu.memory_space<hbm>> -> memref<1x32x128xf32, #tpu.memory_space<hbm>>
    %dma_start3A_470 = tpu.memref_squeeze %dma_start3A_469 : memref<1x32x128xf32, #tpu.memory_space<hbm>> -> memref<32x128xf32, #tpu.memory_space<hbm>>
    %dma_start3A_471 = arith.constant 0 : i32
    %dma_start3A_472 = arith.constant 0 : i32
    %dma_start3A_473 = tpu.memref_slice %arg4[%add3A_461, %dma_start3A_471, %dma_start3A_472] : memref<512x32x128xf32, #tpu.memory_space<hbm>> -> memref<1x32x128xf32, #tpu.memory_space<hbm>>
    %dma_start3A_474 = tpu.memref_squeeze %dma_start3A_473 : memref<1x32x128xf32, #tpu.memory_space<hbm>> -> memref<32x128xf32, #tpu.memory_space<hbm>>
    %dma_start3A_475 = arith.constant 0 : i32
    %dma_start3A_476 = arith.constant 0 : i32
    %dma_start3A_477 = tpu.memref_slice %arg7[%dma_start3A_462, %dma_start3A_475, %dma_start3A_476] : memref<16x32x128xf32, #tpu.memory_space<vmem>> -> memref<1x32x128xf32, #tpu.memory_space<vmem>>
    %dma_start3A_478 = tpu.memref_squeeze %dma_start3A_477 : memref<1x32x128xf32, #tpu.memory_space<vmem>> -> memref<32x128xf32, #tpu.memory_space<vmem>>
    tpu.enqueue_dma source(%dma_start3A_478 : memref<32x128xf32, #tpu.memory_space<vmem>>) target(%dma_start3A_474 : memref<32x128xf32, #tpu.memory_space<hbm>>) target_semaphore(%arg9 : memref<!tpu.dma_semaphore, #tpu.memory_space<semaphore_mem>>)
    %dma_wait3A_479 = arith.constant 8 : i32
    %dma_wait3A_480 = arith.constant 8 : i32
    %dma_wait3A_481 = arith.constant 0 : i32
    %dma_wait3A_482 = arith.constant 0 : i32
    %dma_wait3A_483 = tpu.memref_slice %arg7[%dma_wait3A_479, %dma_wait3A_481, %dma_wait3A_482] : memref<16x32x128xf32, #tpu.memory_space<vmem>> -> memref<1x32x128xf32, #tpu.memory_space<vmem>>
    %dma_wait3A_484 = tpu.memref_squeeze %dma_wait3A_483 : memref<1x32x128xf32, #tpu.memory_space<vmem>> -> memref<32x128xf32, #tpu.memory_space<vmem>>
    %dma_wait3A_485 = arith.constant 256 : i32
    %dma_wait3A_486 = tpu.memref_slice %arg6[%dma_wait3A_485] : memref<512xi32, #tpu.memory_space<vmem>> -> memref<32xi32, #tpu.memory_space<vmem>>
    %dma_wait3A_487 = arith.constant 0 : i32
    %dma_wait3A_488 = arith.constant 0 : i32
    %dma_wait3A_489 = tpu.memref_slice %arg5[%dma_wait3A_487, %dma_wait3A_488] : memref<1024x128xf32, #tpu.memory_space<vmem_shared>> -> memref<1024x128xf32, #tpu.memory_space<vmem_shared>>
    %dma_wait3A_490 = tpu.memref_slice %arg8[%dma_wait3A_480] : memref<16x!tpu.dma_semaphore, #tpu.memory_space<semaphore_mem>> -> memref<1x!tpu.dma_semaphore, #tpu.memory_space<semaphore_mem>>
    %dma_wait3A_491 = tpu.memref_squeeze %dma_wait3A_490 : memref<1x!tpu.dma_semaphore, #tpu.memory_space<semaphore_mem>> -> memref<!tpu.dma_semaphore, #tpu.memory_space<semaphore_mem>>
    tpu.wait_indirect_dma semaphore(%dma_wait3A_491 : memref<!tpu.dma_semaphore, #tpu.memory_space<semaphore_mem>>) src(%dma_wait3A_489 : memref<1024x128xf32, #tpu.memory_space<vmem_shared>>) dst(%dma_wait3A_484 : memref<32x128xf32, #tpu.memory_space<vmem>>)
    %add3A_492 = arith.constant 8 : i32
    %add3A_493 = arith.addi %mul3A_2, %add3A_492 : i32
    %dma_start3A_494 = arith.constant 8 : i32
    %dma_start3A_495 = arith.constant 0 : i32
    %dma_start3A_496 = arith.constant 0 : i32
    %dma_start3A_497 = tpu.memref_slice %arg7[%dma_start3A_494, %dma_start3A_495, %dma_start3A_496] : memref<16x32x128xf32, #tpu.memory_space<vmem>> -> memref<1x32x128xf32, #tpu.memory_space<vmem>>
    %dma_start3A_498 = tpu.memref_squeeze %dma_start3A_497 : memref<1x32x128xf32, #tpu.memory_space<vmem>> -> memref<32x128xf32, #tpu.memory_space<vmem>>
    %dma_start3A_499 = arith.constant 0 : i32
    %dma_start3A_500 = arith.constant 0 : i32
    %dma_start3A_501 = tpu.memref_slice %arg4[%add3A_493, %dma_start3A_499, %dma_start3A_500] : memref<512x32x128xf32, #tpu.memory_space<hbm>> -> memref<1x32x128xf32, #tpu.memory_space<hbm>>
    %dma_start3A_502 = tpu.memref_squeeze %dma_start3A_501 : memref<1x32x128xf32, #tpu.memory_space<hbm>> -> memref<32x128xf32, #tpu.memory_space<hbm>>
    %dma_start3A_503 = arith.constant 0 : i32
    %dma_start3A_504 = arith.constant 0 : i32
    %dma_start3A_505 = tpu.memref_slice %arg4[%add3A_493, %dma_start3A_503, %dma_start3A_504] : memref<512x32x128xf32, #tpu.memory_space<hbm>> -> memref<1x32x128xf32, #tpu.memory_space<hbm>>
    %dma_start3A_506 = tpu.memref_squeeze %dma_start3A_505 : memref<1x32x128xf32, #tpu.memory_space<hbm>> -> memref<32x128xf32, #tpu.memory_space<hbm>>
    %dma_start3A_507 = arith.constant 0 : i32
    %dma_start3A_508 = arith.constant 0 : i32
    %dma_start3A_509 = tpu.memref_slice %arg7[%dma_start3A_494, %dma_start3A_507, %dma_start3A_508] : memref<16x32x128xf32, #tpu.memory_space<vmem>> -> memref<1x32x128xf32, #tpu.memory_space<vmem>>
    %dma_start3A_510 = tpu.memref_squeeze %dma_start3A_509 : memref<1x32x128xf32, #tpu.memory_space<vmem>> -> memref<32x128xf32, #tpu.memory_space<vmem>>
    tpu.enqueue_dma source(%dma_start3A_510 : memref<32x128xf32, #tpu.memory_space<vmem>>) target(%dma_start3A_506 : memref<32x128xf32, #tpu.memory_space<hbm>>) target_semaphore(%arg9 : memref<!tpu.dma_semaphore, #tpu.memory_space<semaphore_mem>>)
    %dma_wait3A_511 = arith.constant 9 : i32
    %dma_wait3A_512 = arith.constant 9 : i32
    %dma_wait3A_513 = arith.constant 0 : i32
    %dma_wait3A_514 = arith.constant 0 : i32
    %dma_wait3A_515 = tpu.memref_slice %arg7[%dma_wait3A_511, %dma_wait3A_513, %dma_wait3A_514] : memref<16x32x128xf32, #tpu.memory_space<vmem>> -> memref<1x32x128xf32, #tpu.memory_space<vmem>>
    %dma_wait3A_516 = tpu.memref_squeeze %dma_wait3A_515 : memref<1x32x128xf32, #tpu.memory_space<vmem>> -> memref<32x128xf32, #tpu.memory_space<vmem>>
    %dma_wait3A_517 = arith.constant 288 : i32
    %dma_wait3A_518 = tpu.memref_slice %arg6[%dma_wait3A_517] : memref<512xi32, #tpu.memory_space<vmem>> -> memref<32xi32, #tpu.memory_space<vmem>>
    %dma_wait3A_519 = arith.constant 0 : i32
    %dma_wait3A_520 = arith.constant 0 : i32
    %dma_wait3A_521 = tpu.memref_slice %arg5[%dma_wait3A_519, %dma_wait3A_520] : memref<1024x128xf32, #tpu.memory_space<vmem_shared>> -> memref<1024x128xf32, #tpu.memory_space<vmem_shared>>
    %dma_wait3A_522 = tpu.memref_slice %arg8[%dma_wait3A_512] : memref<16x!tpu.dma_semaphore, #tpu.memory_space<semaphore_mem>> -> memref<1x!tpu.dma_semaphore, #tpu.memory_space<semaphore_mem>>
    %dma_wait3A_523 = tpu.memref_squeeze %dma_wait3A_522 : memref<1x!tpu.dma_semaphore, #tpu.memory_space<semaphore_mem>> -> memref<!tpu.dma_semaphore, #tpu.memory_space<semaphore_mem>>
    tpu.wait_indirect_dma semaphore(%dma_wait3A_523 : memref<!tpu.dma_semaphore, #tpu.memory_space<semaphore_mem>>) src(%dma_wait3A_521 : memref<1024x128xf32, #tpu.memory_space<vmem_shared>>) dst(%dma_wait3A_516 : memref<32x128xf32, #tpu.memory_space<vmem>>)
    %add3A_524 = arith.constant 9 : i32
    %add3A_525 = arith.addi %mul3A_2, %add3A_524 : i32
    %dma_start3A_526 = arith.constant 9 : i32
    %dma_start3A_527 = arith.constant 0 : i32
    %dma_start3A_528 = arith.constant 0 : i32
    %dma_start3A_529 = tpu.memref_slice %arg7[%dma_start3A_526, %dma_start3A_527, %dma_start3A_528] : memref<16x32x128xf32, #tpu.memory_space<vmem>> -> memref<1x32x128xf32, #tpu.memory_space<vmem>>
    %dma_start3A_530 = tpu.memref_squeeze %dma_start3A_529 : memref<1x32x128xf32, #tpu.memory_space<vmem>> -> memref<32x128xf32, #tpu.memory_space<vmem>>
    %dma_start3A_531 = arith.constant 0 : i32
    %dma_start3A_532 = arith.constant 0 : i32
    %dma_start3A_533 = tpu.memref_slice %arg4[%add3A_525, %dma_start3A_531, %dma_start3A_532] : memref<512x32x128xf32, #tpu.memory_space<hbm>> -> memref<1x32x128xf32, #tpu.memory_space<hbm>>
    %dma_start3A_534 = tpu.memref_squeeze %dma_start3A_533 : memref<1x32x128xf32, #tpu.memory_space<hbm>> -> memref<32x128xf32, #tpu.memory_space<hbm>>
    %dma_start3A_535 = arith.constant 0 : i32
    %dma_start3A_536 = arith.constant 0 : i32
    %dma_start3A_537 = tpu.memref_slice %arg4[%add3A_525, %dma_start3A_535, %dma_start3A_536] : memref<512x32x128xf32, #tpu.memory_space<hbm>> -> memref<1x32x128xf32, #tpu.memory_space<hbm>>
    %dma_start3A_538 = tpu.memref_squeeze %dma_start3A_537 : memref<1x32x128xf32, #tpu.memory_space<hbm>> -> memref<32x128xf32, #tpu.memory_space<hbm>>
    %dma_start3A_539 = arith.constant 0 : i32
    %dma_start3A_540 = arith.constant 0 : i32
    %dma_start3A_541 = tpu.memref_slice %arg7[%dma_start3A_526, %dma_start3A_539, %dma_start3A_540] : memref<16x32x128xf32, #tpu.memory_space<vmem>> -> memref<1x32x128xf32, #tpu.memory_space<vmem>>
    %dma_start3A_542 = tpu.memref_squeeze %dma_start3A_541 : memref<1x32x128xf32, #tpu.memory_space<vmem>> -> memref<32x128xf32, #tpu.memory_space<vmem>>
    tpu.enqueue_dma source(%dma_start3A_542 : memref<32x128xf32, #tpu.memory_space<vmem>>) target(%dma_start3A_538 : memref<32x128xf32, #tpu.memory_space<hbm>>) target_semaphore(%arg9 : memref<!tpu.dma_semaphore, #tpu.memory_space<semaphore_mem>>)
    %dma_wait3A_543 = arith.constant 10 : i32
    %dma_wait3A_544 = arith.constant 10 : i32
    %dma_wait3A_545 = arith.constant 0 : i32
    %dma_wait3A_546 = arith.constant 0 : i32
    %dma_wait3A_547 = tpu.memref_slice %arg7[%dma_wait3A_543, %dma_wait3A_545, %dma_wait3A_546] : memref<16x32x128xf32, #tpu.memory_space<vmem>> -> memref<1x32x128xf32, #tpu.memory_space<vmem>>
    %dma_wait3A_548 = tpu.memref_squeeze %dma_wait3A_547 : memref<1x32x128xf32, #tpu.memory_space<vmem>> -> memref<32x128xf32, #tpu.memory_space<vmem>>
    %dma_wait3A_549 = arith.constant 320 : i32
    %dma_wait3A_550 = tpu.memref_slice %arg6[%dma_wait3A_549] : memref<512xi32, #tpu.memory_space<vmem>> -> memref<32xi32, #tpu.memory_space<vmem>>
    %dma_wait3A_551 = arith.constant 0 : i32
    %dma_wait3A_552 = arith.constant 0 : i32
    %dma_wait3A_553 = tpu.memref_slice %arg5[%dma_wait3A_551, %dma_wait3A_552] : memref<1024x128xf32, #tpu.memory_space<vmem_shared>> -> memref<1024x128xf32, #tpu.memory_space<vmem_shared>>
    %dma_wait3A_554 = tpu.memref_slice %arg8[%dma_wait3A_544] : memref<16x!tpu.dma_semaphore, #tpu.memory_space<semaphore_mem>> -> memref<1x!tpu.dma_semaphore, #tpu.memory_space<semaphore_mem>>
    %dma_wait3A_555 = tpu.memref_squeeze %dma_wait3A_554 : memref<1x!tpu.dma_semaphore, #tpu.memory_space<semaphore_mem>> -> memref<!tpu.dma_semaphore, #tpu.memory_space<semaphore_mem>>
    tpu.wait_indirect_dma semaphore(%dma_wait3A_555 : memref<!tpu.dma_semaphore, #tpu.memory_space<semaphore_mem>>) src(%dma_wait3A_553 : memref<1024x128xf32, #tpu.memory_space<vmem_shared>>) dst(%dma_wait3A_548 : memref<32x128xf32, #tpu.memory_space<vmem>>)
    %add3A_556 = arith.constant 10 : i32
    %add3A_557 = arith.addi %mul3A_2, %add3A_556 : i32
    %dma_start3A_558 = arith.constant 10 : i32
    %dma_start3A_559 = arith.constant 0 : i32
    %dma_start3A_560 = arith.constant 0 : i32
    %dma_start3A_561 = tpu.memref_slice %arg7[%dma_start3A_558, %dma_start3A_559, %dma_start3A_560] : memref<16x32x128xf32, #tpu.memory_space<vmem>> -> memref<1x32x128xf32, #tpu.memory_space<vmem>>
    %dma_start3A_562 = tpu.memref_squeeze %dma_start3A_561 : memref<1x32x128xf32, #tpu.memory_space<vmem>> -> memref<32x128xf32, #tpu.memory_space<vmem>>
    %dma_start3A_563 = arith.constant 0 : i32
    %dma_start3A_564 = arith.constant 0 : i32
    %dma_start3A_565 = tpu.memref_slice %arg4[%add3A_557, %dma_start3A_563, %dma_start3A_564] : memref<512x32x128xf32, #tpu.memory_space<hbm>> -> memref<1x32x128xf32, #tpu.memory_space<hbm>>
    %dma_start3A_566 = tpu.memref_squeeze %dma_start3A_565 : memref<1x32x128xf32, #tpu.memory_space<hbm>> -> memref<32x128xf32, #tpu.memory_space<hbm>>
    %dma_start3A_567 = arith.constant 0 : i32
    %dma_start3A_568 = arith.constant 0 : i32
    %dma_start3A_569 = tpu.memref_slice %arg4[%add3A_557, %dma_start3A_567, %dma_start3A_568] : memref<512x32x128xf32, #tpu.memory_space<hbm>> -> memref<1x32x128xf32, #tpu.memory_space<hbm>>
    %dma_start3A_570 = tpu.memref_squeeze %dma_start3A_569 : memref<1x32x128xf32, #tpu.memory_space<hbm>> -> memref<32x128xf32, #tpu.memory_space<hbm>>
    %dma_start3A_571 = arith.constant 0 : i32
    %dma_start3A_572 = arith.constant 0 : i32
    %dma_start3A_573 = tpu.memref_slice %arg7[%dma_start3A_558, %dma_start3A_571, %dma_start3A_572] : memref<16x32x128xf32, #tpu.memory_space<vmem>> -> memref<1x32x128xf32, #tpu.memory_space<vmem>>
    %dma_start3A_574 = tpu.memref_squeeze %dma_start3A_573 : memref<1x32x128xf32, #tpu.memory_space<vmem>> -> memref<32x128xf32, #tpu.memory_space<vmem>>
    tpu.enqueue_dma source(%dma_start3A_574 : memref<32x128xf32, #tpu.memory_space<vmem>>) target(%dma_start3A_570 : memref<32x128xf32, #tpu.memory_space<hbm>>) target_semaphore(%arg9 : memref<!tpu.dma_semaphore, #tpu.memory_space<semaphore_mem>>)
    %dma_wait3A_575 = arith.constant 11 : i32
    %dma_wait3A_576 = arith.constant 11 : i32
    %dma_wait3A_577 = arith.constant 0 : i32
    %dma_wait3A_578 = arith.constant 0 : i32
    %dma_wait3A_579 = tpu.memref_slice %arg7[%dma_wait3A_575, %dma_wait3A_577, %dma_wait3A_578] : memref<16x32x128xf32, #tpu.memory_space<vmem>> -> memref<1x32x128xf32, #tpu.memory_space<vmem>>
    %dma_wait3A_580 = tpu.memref_squeeze %dma_wait3A_579 : memref<1x32x128xf32, #tpu.memory_space<vmem>> -> memref<32x128xf32, #tpu.memory_space<vmem>>
    %dma_wait3A_581 = arith.constant 352 : i32
    %dma_wait3A_582 = tpu.memref_slice %arg6[%dma_wait3A_581] : memref<512xi32, #tpu.memory_space<vmem>> -> memref<32xi32, #tpu.memory_space<vmem>>
    %dma_wait3A_583 = arith.constant 0 : i32
    %dma_wait3A_584 = arith.constant 0 : i32
    %dma_wait3A_585 = tpu.memref_slice %arg5[%dma_wait3A_583, %dma_wait3A_584] : memref<1024x128xf32, #tpu.memory_space<vmem_shared>> -> memref<1024x128xf32, #tpu.memory_space<vmem_shared>>
    %dma_wait3A_586 = tpu.memref_slice %arg8[%dma_wait3A_576] : memref<16x!tpu.dma_semaphore, #tpu.memory_space<semaphore_mem>> -> memref<1x!tpu.dma_semaphore, #tpu.memory_space<semaphore_mem>>
    %dma_wait3A_587 = tpu.memref_squeeze %dma_wait3A_586 : memref<1x!tpu.dma_semaphore, #tpu.memory_space<semaphore_mem>> -> memref<!tpu.dma_semaphore, #tpu.memory_space<semaphore_mem>>
    tpu.wait_indirect_dma semaphore(%dma_wait3A_587 : memref<!tpu.dma_semaphore, #tpu.memory_space<semaphore_mem>>) src(%dma_wait3A_585 : memref<1024x128xf32, #tpu.memory_space<vmem_shared>>) dst(%dma_wait3A_580 : memref<32x128xf32, #tpu.memory_space<vmem>>)
    %add3A_588 = arith.constant 11 : i32
    %add3A_589 = arith.addi %mul3A_2, %add3A_588 : i32
    %dma_start3A_590 = arith.constant 11 : i32
    %dma_start3A_591 = arith.constant 0 : i32
    %dma_start3A_592 = arith.constant 0 : i32
    %dma_start3A_593 = tpu.memref_slice %arg7[%dma_start3A_590, %dma_start3A_591, %dma_start3A_592] : memref<16x32x128xf32, #tpu.memory_space<vmem>> -> memref<1x32x128xf32, #tpu.memory_space<vmem>>
    %dma_start3A_594 = tpu.memref_squeeze %dma_start3A_593 : memref<1x32x128xf32, #tpu.memory_space<vmem>> -> memref<32x128xf32, #tpu.memory_space<vmem>>
    %dma_start3A_595 = arith.constant 0 : i32
    %dma_start3A_596 = arith.constant 0 : i32
    %dma_start3A_597 = tpu.memref_slice %arg4[%add3A_589, %dma_start3A_595, %dma_start3A_596] : memref<512x32x128xf32, #tpu.memory_space<hbm>> -> memref<1x32x128xf32, #tpu.memory_space<hbm>>
    %dma_start3A_598 = tpu.memref_squeeze %dma_start3A_597 : memref<1x32x128xf32, #tpu.memory_space<hbm>> -> memref<32x128xf32, #tpu.memory_space<hbm>>
    %dma_start3A_599 = arith.constant 0 : i32
    %dma_start3A_600 = arith.constant 0 : i32
    %dma_start3A_601 = tpu.memref_slice %arg4[%add3A_589, %dma_start3A_599, %dma_start3A_600] : memref<512x32x128xf32, #tpu.memory_space<hbm>> -> memref<1x32x128xf32, #tpu.memory_space<hbm>>
    %dma_start3A_602 = tpu.memref_squeeze %dma_start3A_601 : memref<1x32x128xf32, #tpu.memory_space<hbm>> -> memref<32x128xf32, #tpu.memory_space<hbm>>
    %dma_start3A_603 = arith.constant 0 : i32
    %dma_start3A_604 = arith.constant 0 : i32
    %dma_start3A_605 = tpu.memref_slice %arg7[%dma_start3A_590, %dma_start3A_603, %dma_start3A_604] : memref<16x32x128xf32, #tpu.memory_space<vmem>> -> memref<1x32x128xf32, #tpu.memory_space<vmem>>
    %dma_start3A_606 = tpu.memref_squeeze %dma_start3A_605 : memref<1x32x128xf32, #tpu.memory_space<vmem>> -> memref<32x128xf32, #tpu.memory_space<vmem>>
    tpu.enqueue_dma source(%dma_start3A_606 : memref<32x128xf32, #tpu.memory_space<vmem>>) target(%dma_start3A_602 : memref<32x128xf32, #tpu.memory_space<hbm>>) target_semaphore(%arg9 : memref<!tpu.dma_semaphore, #tpu.memory_space<semaphore_mem>>)
    %dma_wait3A_607 = arith.constant 12 : i32
    %dma_wait3A_608 = arith.constant 12 : i32
    %dma_wait3A_609 = arith.constant 0 : i32
    %dma_wait3A_610 = arith.constant 0 : i32
    %dma_wait3A_611 = tpu.memref_slice %arg7[%dma_wait3A_607, %dma_wait3A_609, %dma_wait3A_610] : memref<16x32x128xf32, #tpu.memory_space<vmem>> -> memref<1x32x128xf32, #tpu.memory_space<vmem>>
    %dma_wait3A_612 = tpu.memref_squeeze %dma_wait3A_611 : memref<1x32x128xf32, #tpu.memory_space<vmem>> -> memref<32x128xf32, #tpu.memory_space<vmem>>
    %dma_wait3A_613 = arith.constant 384 : i32
    %dma_wait3A_614 = tpu.memref_slice %arg6[%dma_wait3A_613] : memref<512xi32, #tpu.memory_space<vmem>> -> memref<32xi32, #tpu.memory_space<vmem>>
    %dma_wait3A_615 = arith.constant 0 : i32
    %dma_wait3A_616 = arith.constant 0 : i32
    %dma_wait3A_617 = tpu.memref_slice %arg5[%dma_wait3A_615, %dma_wait3A_616] : memref<1024x128xf32, #tpu.memory_space<vmem_shared>> -> memref<1024x128xf32, #tpu.memory_space<vmem_shared>>
    %dma_wait3A_618 = tpu.memref_slice %arg8[%dma_wait3A_608] : memref<16x!tpu.dma_semaphore, #tpu.memory_space<semaphore_mem>> -> memref<1x!tpu.dma_semaphore, #tpu.memory_space<semaphore_mem>>
    %dma_wait3A_619 = tpu.memref_squeeze %dma_wait3A_618 : memref<1x!tpu.dma_semaphore, #tpu.memory_space<semaphore_mem>> -> memref<!tpu.dma_semaphore, #tpu.memory_space<semaphore_mem>>
    tpu.wait_indirect_dma semaphore(%dma_wait3A_619 : memref<!tpu.dma_semaphore, #tpu.memory_space<semaphore_mem>>) src(%dma_wait3A_617 : memref<1024x128xf32, #tpu.memory_space<vmem_shared>>) dst(%dma_wait3A_612 : memref<32x128xf32, #tpu.memory_space<vmem>>)
    %add3A_620 = arith.constant 12 : i32
    %add3A_621 = arith.addi %mul3A_2, %add3A_620 : i32
    %dma_start3A_622 = arith.constant 12 : i32
    %dma_start3A_623 = arith.constant 0 : i32
    %dma_start3A_624 = arith.constant 0 : i32
    %dma_start3A_625 = tpu.memref_slice %arg7[%dma_start3A_622, %dma_start3A_623, %dma_start3A_624] : memref<16x32x128xf32, #tpu.memory_space<vmem>> -> memref<1x32x128xf32, #tpu.memory_space<vmem>>
    %dma_start3A_626 = tpu.memref_squeeze %dma_start3A_625 : memref<1x32x128xf32, #tpu.memory_space<vmem>> -> memref<32x128xf32, #tpu.memory_space<vmem>>
    %dma_start3A_627 = arith.constant 0 : i32
    %dma_start3A_628 = arith.constant 0 : i32
    %dma_start3A_629 = tpu.memref_slice %arg4[%add3A_621, %dma_start3A_627, %dma_start3A_628] : memref<512x32x128xf32, #tpu.memory_space<hbm>> -> memref<1x32x128xf32, #tpu.memory_space<hbm>>
    %dma_start3A_630 = tpu.memref_squeeze %dma_start3A_629 : memref<1x32x128xf32, #tpu.memory_space<hbm>> -> memref<32x128xf32, #tpu.memory_space<hbm>>
    %dma_start3A_631 = arith.constant 0 : i32
    %dma_start3A_632 = arith.constant 0 : i32
    %dma_start3A_633 = tpu.memref_slice %arg4[%add3A_621, %dma_start3A_631, %dma_start3A_632] : memref<512x32x128xf32, #tpu.memory_space<hbm>> -> memref<1x32x128xf32, #tpu.memory_space<hbm>>
    %dma_start3A_634 = tpu.memref_squeeze %dma_start3A_633 : memref<1x32x128xf32, #tpu.memory_space<hbm>> -> memref<32x128xf32, #tpu.memory_space<hbm>>
    %dma_start3A_635 = arith.constant 0 : i32
    %dma_start3A_636 = arith.constant 0 : i32
    %dma_start3A_637 = tpu.memref_slice %arg7[%dma_start3A_622, %dma_start3A_635, %dma_start3A_636] : memref<16x32x128xf32, #tpu.memory_space<vmem>> -> memref<1x32x128xf32, #tpu.memory_space<vmem>>
    %dma_start3A_638 = tpu.memref_squeeze %dma_start3A_637 : memref<1x32x128xf32, #tpu.memory_space<vmem>> -> memref<32x128xf32, #tpu.memory_space<vmem>>
    tpu.enqueue_dma source(%dma_start3A_638 : memref<32x128xf32, #tpu.memory_space<vmem>>) target(%dma_start3A_634 : memref<32x128xf32, #tpu.memory_space<hbm>>) target_semaphore(%arg9 : memref<!tpu.dma_semaphore, #tpu.memory_space<semaphore_mem>>)
    %dma_wait3A_639 = arith.constant 13 : i32
    %dma_wait3A_640 = arith.constant 13 : i32
    %dma_wait3A_641 = arith.constant 0 : i32
    %dma_wait3A_642 = arith.constant 0 : i32
    %dma_wait3A_643 = tpu.memref_slice %arg7[%dma_wait3A_639, %dma_wait3A_641, %dma_wait3A_642] : memref<16x32x128xf32, #tpu.memory_space<vmem>> -> memref<1x32x128xf32, #tpu.memory_space<vmem>>
    %dma_wait3A_644 = tpu.memref_squeeze %dma_wait3A_643 : memref<1x32x128xf32, #tpu.memory_space<vmem>> -> memref<32x128xf32, #tpu.memory_space<vmem>>
    %dma_wait3A_645 = arith.constant 416 : i32
    %dma_wait3A_646 = tpu.memref_slice %arg6[%dma_wait3A_645] : memref<512xi32, #tpu.memory_space<vmem>> -> memref<32xi32, #tpu.memory_space<vmem>>
    %dma_wait3A_647 = arith.constant 0 : i32
    %dma_wait3A_648 = arith.constant 0 : i32
    %dma_wait3A_649 = tpu.memref_slice %arg5[%dma_wait3A_647, %dma_wait3A_648] : memref<1024x128xf32, #tpu.memory_space<vmem_shared>> -> memref<1024x128xf32, #tpu.memory_space<vmem_shared>>
    %dma_wait3A_650 = tpu.memref_slice %arg8[%dma_wait3A_640] : memref<16x!tpu.dma_semaphore, #tpu.memory_space<semaphore_mem>> -> memref<1x!tpu.dma_semaphore, #tpu.memory_space<semaphore_mem>>
    %dma_wait3A_651 = tpu.memref_squeeze %dma_wait3A_650 : memref<1x!tpu.dma_semaphore, #tpu.memory_space<semaphore_mem>> -> memref<!tpu.dma_semaphore, #tpu.memory_space<semaphore_mem>>
    tpu.wait_indirect_dma semaphore(%dma_wait3A_651 : memref<!tpu.dma_semaphore, #tpu.memory_space<semaphore_mem>>) src(%dma_wait3A_649 : memref<1024x128xf32, #tpu.memory_space<vmem_shared>>) dst(%dma_wait3A_644 : memref<32x128xf32, #tpu.memory_space<vmem>>)
    %add3A_652 = arith.constant 13 : i32
    %add3A_653 = arith.addi %mul3A_2, %add3A_652 : i32
    %dma_start3A_654 = arith.constant 13 : i32
    %dma_start3A_655 = arith.constant 0 : i32
    %dma_start3A_656 = arith.constant 0 : i32
    %dma_start3A_657 = tpu.memref_slice %arg7[%dma_start3A_654, %dma_start3A_655, %dma_start3A_656] : memref<16x32x128xf32, #tpu.memory_space<vmem>> -> memref<1x32x128xf32, #tpu.memory_space<vmem>>
    %dma_start3A_658 = tpu.memref_squeeze %dma_start3A_657 : memref<1x32x128xf32, #tpu.memory_space<vmem>> -> memref<32x128xf32, #tpu.memory_space<vmem>>
    %dma_start3A_659 = arith.constant 0 : i32
    %dma_start3A_660 = arith.constant 0 : i32
    %dma_start3A_661 = tpu.memref_slice %arg4[%add3A_653, %dma_start3A_659, %dma_start3A_660] : memref<512x32x128xf32, #tpu.memory_space<hbm>> -> memref<1x32x128xf32, #tpu.memory_space<hbm>>
    %dma_start3A_662 = tpu.memref_squeeze %dma_start3A_661 : memref<1x32x128xf32, #tpu.memory_space<hbm>> -> memref<32x128xf32, #tpu.memory_space<hbm>>
    %dma_start3A_663 = arith.constant 0 : i32
    %dma_start3A_664 = arith.constant 0 : i32
    %dma_start3A_665 = tpu.memref_slice %arg4[%add3A_653, %dma_start3A_663, %dma_start3A_664] : memref<512x32x128xf32, #tpu.memory_space<hbm>> -> memref<1x32x128xf32, #tpu.memory_space<hbm>>
    %dma_start3A_666 = tpu.memref_squeeze %dma_start3A_665 : memref<1x32x128xf32, #tpu.memory_space<hbm>> -> memref<32x128xf32, #tpu.memory_space<hbm>>
    %dma_start3A_667 = arith.constant 0 : i32
    %dma_start3A_668 = arith.constant 0 : i32
    %dma_start3A_669 = tpu.memref_slice %arg7[%dma_start3A_654, %dma_start3A_667, %dma_start3A_668] : memref<16x32x128xf32, #tpu.memory_space<vmem>> -> memref<1x32x128xf32, #tpu.memory_space<vmem>>
    %dma_start3A_670 = tpu.memref_squeeze %dma_start3A_669 : memref<1x32x128xf32, #tpu.memory_space<vmem>> -> memref<32x128xf32, #tpu.memory_space<vmem>>
    tpu.enqueue_dma source(%dma_start3A_670 : memref<32x128xf32, #tpu.memory_space<vmem>>) target(%dma_start3A_666 : memref<32x128xf32, #tpu.memory_space<hbm>>) target_semaphore(%arg9 : memref<!tpu.dma_semaphore, #tpu.memory_space<semaphore_mem>>)
    %dma_wait3A_671 = arith.constant 14 : i32
    %dma_wait3A_672 = arith.constant 14 : i32
    %dma_wait3A_673 = arith.constant 0 : i32
    %dma_wait3A_674 = arith.constant 0 : i32
    %dma_wait3A_675 = tpu.memref_slice %arg7[%dma_wait3A_671, %dma_wait3A_673, %dma_wait3A_674] : memref<16x32x128xf32, #tpu.memory_space<vmem>> -> memref<1x32x128xf32, #tpu.memory_space<vmem>>
    %dma_wait3A_676 = tpu.memref_squeeze %dma_wait3A_675 : memref<1x32x128xf32, #tpu.memory_space<vmem>> -> memref<32x128xf32, #tpu.memory_space<vmem>>
    %dma_wait3A_677 = arith.constant 448 : i32
    %dma_wait3A_678 = tpu.memref_slice %arg6[%dma_wait3A_677] : memref<512xi32, #tpu.memory_space<vmem>> -> memref<32xi32, #tpu.memory_space<vmem>>
    %dma_wait3A_679 = arith.constant 0 : i32
    %dma_wait3A_680 = arith.constant 0 : i32
    %dma_wait3A_681 = tpu.memref_slice %arg5[%dma_wait3A_679, %dma_wait3A_680] : memref<1024x128xf32, #tpu.memory_space<vmem_shared>> -> memref<1024x128xf32, #tpu.memory_space<vmem_shared>>
    %dma_wait3A_682 = tpu.memref_slice %arg8[%dma_wait3A_672] : memref<16x!tpu.dma_semaphore, #tpu.memory_space<semaphore_mem>> -> memref<1x!tpu.dma_semaphore, #tpu.memory_space<semaphore_mem>>
    %dma_wait3A_683 = tpu.memref_squeeze %dma_wait3A_682 : memref<1x!tpu.dma_semaphore, #tpu.memory_space<semaphore_mem>> -> memref<!tpu.dma_semaphore, #tpu.memory_space<semaphore_mem>>
    tpu.wait_indirect_dma semaphore(%dma_wait3A_683 : memref<!tpu.dma_semaphore, #tpu.memory_space<semaphore_mem>>) src(%dma_wait3A_681 : memref<1024x128xf32, #tpu.memory_space<vmem_shared>>) dst(%dma_wait3A_676 : memref<32x128xf32, #tpu.memory_space<vmem>>)
    %add3A_684 = arith.constant 14 : i32
    %add3A_685 = arith.addi %mul3A_2, %add3A_684 : i32
    %dma_start3A_686 = arith.constant 14 : i32
    %dma_start3A_687 = arith.constant 0 : i32
    %dma_start3A_688 = arith.constant 0 : i32
    %dma_start3A_689 = tpu.memref_slice %arg7[%dma_start3A_686, %dma_start3A_687, %dma_start3A_688] : memref<16x32x128xf32, #tpu.memory_space<vmem>> -> memref<1x32x128xf32, #tpu.memory_space<vmem>>
    %dma_start3A_690 = tpu.memref_squeeze %dma_start3A_689 : memref<1x32x128xf32, #tpu.memory_space<vmem>> -> memref<32x128xf32, #tpu.memory_space<vmem>>
    %dma_start3A_691 = arith.constant 0 : i32
    %dma_start3A_692 = arith.constant 0 : i32
    %dma_start3A_693 = tpu.memref_slice %arg4[%add3A_685, %dma_start3A_691, %dma_start3A_692] : memref<512x32x128xf32, #tpu.memory_space<hbm>> -> memref<1x32x128xf32, #tpu.memory_space<hbm>>
    %dma_start3A_694 = tpu.memref_squeeze %dma_start3A_693 : memref<1x32x128xf32, #tpu.memory_space<hbm>> -> memref<32x128xf32, #tpu.memory_space<hbm>>
    %dma_start3A_695 = arith.constant 0 : i32
    %dma_start3A_696 = arith.constant 0 : i32
    %dma_start3A_697 = tpu.memref_slice %arg4[%add3A_685, %dma_start3A_695, %dma_start3A_696] : memref<512x32x128xf32, #tpu.memory_space<hbm>> -> memref<1x32x128xf32, #tpu.memory_space<hbm>>
    %dma_start3A_698 = tpu.memref_squeeze %dma_start3A_697 : memref<1x32x128xf32, #tpu.memory_space<hbm>> -> memref<32x128xf32, #tpu.memory_space<hbm>>
    %dma_start3A_699 = arith.constant 0 : i32
    %dma_start3A_700 = arith.constant 0 : i32
    %dma_start3A_701 = tpu.memref_slice %arg7[%dma_start3A_686, %dma_start3A_699, %dma_start3A_700] : memref<16x32x128xf32, #tpu.memory_space<vmem>> -> memref<1x32x128xf32, #tpu.memory_space<vmem>>
    %dma_start3A_702 = tpu.memref_squeeze %dma_start3A_701 : memref<1x32x128xf32, #tpu.memory_space<vmem>> -> memref<32x128xf32, #tpu.memory_space<vmem>>
    tpu.enqueue_dma source(%dma_start3A_702 : memref<32x128xf32, #tpu.memory_space<vmem>>) target(%dma_start3A_698 : memref<32x128xf32, #tpu.memory_space<hbm>>) target_semaphore(%arg9 : memref<!tpu.dma_semaphore, #tpu.memory_space<semaphore_mem>>)
    %dma_wait3A_703 = arith.constant 15 : i32
    %dma_wait3A_704 = arith.constant 15 : i32
    %dma_wait3A_705 = arith.constant 0 : i32
    %dma_wait3A_706 = arith.constant 0 : i32
    %dma_wait3A_707 = tpu.memref_slice %arg7[%dma_wait3A_703, %dma_wait3A_705, %dma_wait3A_706] : memref<16x32x128xf32, #tpu.memory_space<vmem>> -> memref<1x32x128xf32, #tpu.memory_space<vmem>>
    %dma_wait3A_708 = tpu.memref_squeeze %dma_wait3A_707 : memref<1x32x128xf32, #tpu.memory_space<vmem>> -> memref<32x128xf32, #tpu.memory_space<vmem>>
    %dma_wait3A_709 = arith.constant 480 : i32
    %dma_wait3A_710 = tpu.memref_slice %arg6[%dma_wait3A_709] : memref<512xi32, #tpu.memory_space<vmem>> -> memref<32xi32, #tpu.memory_space<vmem>>
    %dma_wait3A_711 = arith.constant 0 : i32
    %dma_wait3A_712 = arith.constant 0 : i32
    %dma_wait3A_713 = tpu.memref_slice %arg5[%dma_wait3A_711, %dma_wait3A_712] : memref<1024x128xf32, #tpu.memory_space<vmem_shared>> -> memref<1024x128xf32, #tpu.memory_space<vmem_shared>>
    %dma_wait3A_714 = tpu.memref_slice %arg8[%dma_wait3A_704] : memref<16x!tpu.dma_semaphore, #tpu.memory_space<semaphore_mem>> -> memref<1x!tpu.dma_semaphore, #tpu.memory_space<semaphore_mem>>
    %dma_wait3A_715 = tpu.memref_squeeze %dma_wait3A_714 : memref<1x!tpu.dma_semaphore, #tpu.memory_space<semaphore_mem>> -> memref<!tpu.dma_semaphore, #tpu.memory_space<semaphore_mem>>
    tpu.wait_indirect_dma semaphore(%dma_wait3A_715 : memref<!tpu.dma_semaphore, #tpu.memory_space<semaphore_mem>>) src(%dma_wait3A_713 : memref<1024x128xf32, #tpu.memory_space<vmem_shared>>) dst(%dma_wait3A_708 : memref<32x128xf32, #tpu.memory_space<vmem>>)
    %add3A_716 = arith.constant 15 : i32
    %add3A_717 = arith.addi %mul3A_2, %add3A_716 : i32
    %dma_start3A_718 = arith.constant 15 : i32
    %dma_start3A_719 = arith.constant 0 : i32
    %dma_start3A_720 = arith.constant 0 : i32
    %dma_start3A_721 = tpu.memref_slice %arg7[%dma_start3A_718, %dma_start3A_719, %dma_start3A_720] : memref<16x32x128xf32, #tpu.memory_space<vmem>> -> memref<1x32x128xf32, #tpu.memory_space<vmem>>
    %dma_start3A_722 = tpu.memref_squeeze %dma_start3A_721 : memref<1x32x128xf32, #tpu.memory_space<vmem>> -> memref<32x128xf32, #tpu.memory_space<vmem>>
    %dma_start3A_723 = arith.constant 0 : i32
    %dma_start3A_724 = arith.constant 0 : i32
    %dma_start3A_725 = tpu.memref_slice %arg4[%add3A_717, %dma_start3A_723, %dma_start3A_724] : memref<512x32x128xf32, #tpu.memory_space<hbm>> -> memref<1x32x128xf32, #tpu.memory_space<hbm>>
    %dma_start3A_726 = tpu.memref_squeeze %dma_start3A_725 : memref<1x32x128xf32, #tpu.memory_space<hbm>> -> memref<32x128xf32, #tpu.memory_space<hbm>>
    %dma_start3A_727 = arith.constant 0 : i32
    %dma_start3A_728 = arith.constant 0 : i32
    %dma_start3A_729 = tpu.memref_slice %arg4[%add3A_717, %dma_start3A_727, %dma_start3A_728] : memref<512x32x128xf32, #tpu.memory_space<hbm>> -> memref<1x32x128xf32, #tpu.memory_space<hbm>>
    %dma_start3A_730 = tpu.memref_squeeze %dma_start3A_729 : memref<1x32x128xf32, #tpu.memory_space<hbm>> -> memref<32x128xf32, #tpu.memory_space<hbm>>
    %dma_start3A_731 = arith.constant 0 : i32
    %dma_start3A_732 = arith.constant 0 : i32
    %dma_start3A_733 = tpu.memref_slice %arg7[%dma_start3A_718, %dma_start3A_731, %dma_start3A_732] : memref<16x32x128xf32, #tpu.memory_space<vmem>> -> memref<1x32x128xf32, #tpu.memory_space<vmem>>
    %dma_start3A_734 = tpu.memref_squeeze %dma_start3A_733 : memref<1x32x128xf32, #tpu.memory_space<vmem>> -> memref<32x128xf32, #tpu.memory_space<vmem>>
    tpu.enqueue_dma source(%dma_start3A_734 : memref<32x128xf32, #tpu.memory_space<vmem>>) target(%dma_start3A_730 : memref<32x128xf32, #tpu.memory_space<hbm>>) target_semaphore(%arg9 : memref<!tpu.dma_semaphore, #tpu.memory_space<semaphore_mem>>)
    %dma_wait3A_735 = arith.constant 0 : i32
    %dma_wait3A_736 = arith.constant 0 : i32
    %dma_wait3A_737 = arith.constant 0 : i32
    %dma_wait3A_738 = tpu.memref_slice %arg7[%dma_wait3A_735, %dma_wait3A_736, %dma_wait3A_737] : memref<16x32x128xf32, #tpu.memory_space<vmem>> -> memref<1x32x128xf32, #tpu.memory_space<vmem>>
    %dma_wait3A_739 = tpu.memref_squeeze %dma_wait3A_738 : memref<1x32x128xf32, #tpu.memory_space<vmem>> -> memref<32x128xf32, #tpu.memory_space<vmem>>
    %dma_wait3A_740 = arith.constant 0 : i32
    %dma_wait3A_741 = arith.constant 0 : i32
    %dma_wait3A_742 = tpu.memref_slice %arg4[%add3A_237, %dma_wait3A_740, %dma_wait3A_741] : memref<512x32x128xf32, #tpu.memory_space<hbm>> -> memref<1x32x128xf32, #tpu.memory_space<hbm>>
    %dma_wait3A_743 = tpu.memref_squeeze %dma_wait3A_742 : memref<1x32x128xf32, #tpu.memory_space<hbm>> -> memref<32x128xf32, #tpu.memory_space<hbm>>
    %dma_wait3A_744 = arith.constant 0 : i32
    %dma_wait3A_745 = arith.constant 0 : i32
    %dma_wait3A_746 = tpu.memref_slice %arg4[%add3A_237, %dma_wait3A_744, %dma_wait3A_745] : memref<512x32x128xf32, #tpu.memory_space<hbm>> -> memref<1x32x128xf32, #tpu.memory_space<hbm>>
    %dma_wait3A_747 = tpu.memref_squeeze %dma_wait3A_746 : memref<1x32x128xf32, #tpu.memory_space<hbm>> -> memref<32x128xf32, #tpu.memory_space<hbm>>
    %dma_wait3A_748 = arith.constant 0 : i32
    %dma_wait3A_749 = arith.constant 0 : i32
    %dma_wait3A_750 = tpu.memref_slice %arg7[%dma_wait3A_735, %dma_wait3A_748, %dma_wait3A_749] : memref<16x32x128xf32, #tpu.memory_space<vmem>> -> memref<1x32x128xf32, #tpu.memory_space<vmem>>
    %dma_wait3A_751 = tpu.memref_squeeze %dma_wait3A_750 : memref<1x32x128xf32, #tpu.memory_space<vmem>> -> memref<32x128xf32, #tpu.memory_space<vmem>>
    tpu.wait_dma2 semaphore(%arg9 : memref<!tpu.dma_semaphore, #tpu.memory_space<semaphore_mem>>) src(%dma_wait3A_751 : memref<32x128xf32, #tpu.memory_space<vmem>>) dst(%dma_wait3A_747 : memref<32x128xf32, #tpu.memory_space<hbm>>)
    %dma_wait3A_752 = arith.constant 1 : i32
    %dma_wait3A_753 = arith.constant 0 : i32
    %dma_wait3A_754 = arith.constant 0 : i32
    %dma_wait3A_755 = tpu.memref_slice %arg7[%dma_wait3A_752, %dma_wait3A_753, %dma_wait3A_754] : memref<16x32x128xf32, #tpu.memory_space<vmem>> -> memref<1x32x128xf32, #tpu.memory_space<vmem>>
    %dma_wait3A_756 = tpu.memref_squeeze %dma_wait3A_755 : memref<1x32x128xf32, #tpu.memory_space<vmem>> -> memref<32x128xf32, #tpu.memory_space<vmem>>
    %dma_wait3A_757 = arith.constant 0 : i32
    %dma_wait3A_758 = arith.constant 0 : i32
    %dma_wait3A_759 = tpu.memref_slice %arg4[%add3A_269, %dma_wait3A_757, %dma_wait3A_758] : memref<512x32x128xf32, #tpu.memory_space<hbm>> -> memref<1x32x128xf32, #tpu.memory_space<hbm>>
    %dma_wait3A_760 = tpu.memref_squeeze %dma_wait3A_759 : memref<1x32x128xf32, #tpu.memory_space<hbm>> -> memref<32x128xf32, #tpu.memory_space<hbm>>
    %dma_wait3A_761 = arith.constant 0 : i32
    %dma_wait3A_762 = arith.constant 0 : i32
    %dma_wait3A_763 = tpu.memref_slice %arg4[%add3A_269, %dma_wait3A_761, %dma_wait3A_762] : memref<512x32x128xf32, #tpu.memory_space<hbm>> -> memref<1x32x128xf32, #tpu.memory_space<hbm>>
    %dma_wait3A_764 = tpu.memref_squeeze %dma_wait3A_763 : memref<1x32x128xf32, #tpu.memory_space<hbm>> -> memref<32x128xf32, #tpu.memory_space<hbm>>
    %dma_wait3A_765 = arith.constant 0 : i32
    %dma_wait3A_766 = arith.constant 0 : i32
    %dma_wait3A_767 = tpu.memref_slice %arg7[%dma_wait3A_752, %dma_wait3A_765, %dma_wait3A_766] : memref<16x32x128xf32, #tpu.memory_space<vmem>> -> memref<1x32x128xf32, #tpu.memory_space<vmem>>
    %dma_wait3A_768 = tpu.memref_squeeze %dma_wait3A_767 : memref<1x32x128xf32, #tpu.memory_space<vmem>> -> memref<32x128xf32, #tpu.memory_space<vmem>>
    tpu.wait_dma2 semaphore(%arg9 : memref<!tpu.dma_semaphore, #tpu.memory_space<semaphore_mem>>) src(%dma_wait3A_768 : memref<32x128xf32, #tpu.memory_space<vmem>>) dst(%dma_wait3A_764 : memref<32x128xf32, #tpu.memory_space<hbm>>)
    %dma_wait3A_769 = arith.constant 2 : i32
    %dma_wait3A_770 = arith.constant 0 : i32
    %dma_wait3A_771 = arith.constant 0 : i32
    %dma_wait3A_772 = tpu.memref_slice %arg7[%dma_wait3A_769, %dma_wait3A_770, %dma_wait3A_771] : memref<16x32x128xf32, #tpu.memory_space<vmem>> -> memref<1x32x128xf32, #tpu.memory_space<vmem>>
    %dma_wait3A_773 = tpu.memref_squeeze %dma_wait3A_772 : memref<1x32x128xf32, #tpu.memory_space<vmem>> -> memref<32x128xf32, #tpu.memory_space<vmem>>
    %dma_wait3A_774 = arith.constant 0 : i32
    %dma_wait3A_775 = arith.constant 0 : i32
    %dma_wait3A_776 = tpu.memref_slice %arg4[%add3A_301, %dma_wait3A_774, %dma_wait3A_775] : memref<512x32x128xf32, #tpu.memory_space<hbm>> -> memref<1x32x128xf32, #tpu.memory_space<hbm>>
    %dma_wait3A_777 = tpu.memref_squeeze %dma_wait3A_776 : memref<1x32x128xf32, #tpu.memory_space<hbm>> -> memref<32x128xf32, #tpu.memory_space<hbm>>
    %dma_wait3A_778 = arith.constant 0 : i32
    %dma_wait3A_779 = arith.constant 0 : i32
    %dma_wait3A_780 = tpu.memref_slice %arg4[%add3A_301, %dma_wait3A_778, %dma_wait3A_779] : memref<512x32x128xf32, #tpu.memory_space<hbm>> -> memref<1x32x128xf32, #tpu.memory_space<hbm>>
    %dma_wait3A_781 = tpu.memref_squeeze %dma_wait3A_780 : memref<1x32x128xf32, #tpu.memory_space<hbm>> -> memref<32x128xf32, #tpu.memory_space<hbm>>
    %dma_wait3A_782 = arith.constant 0 : i32
    %dma_wait3A_783 = arith.constant 0 : i32
    %dma_wait3A_784 = tpu.memref_slice %arg7[%dma_wait3A_769, %dma_wait3A_782, %dma_wait3A_783] : memref<16x32x128xf32, #tpu.memory_space<vmem>> -> memref<1x32x128xf32, #tpu.memory_space<vmem>>
    %dma_wait3A_785 = tpu.memref_squeeze %dma_wait3A_784 : memref<1x32x128xf32, #tpu.memory_space<vmem>> -> memref<32x128xf32, #tpu.memory_space<vmem>>
    tpu.wait_dma2 semaphore(%arg9 : memref<!tpu.dma_semaphore, #tpu.memory_space<semaphore_mem>>) src(%dma_wait3A_785 : memref<32x128xf32, #tpu.memory_space<vmem>>) dst(%dma_wait3A_781 : memref<32x128xf32, #tpu.memory_space<hbm>>)
    %dma_wait3A_786 = arith.constant 3 : i32
    %dma_wait3A_787 = arith.constant 0 : i32
    %dma_wait3A_788 = arith.constant 0 : i32
    %dma_wait3A_789 = tpu.memref_slice %arg7[%dma_wait3A_786, %dma_wait3A_787, %dma_wait3A_788] : memref<16x32x128xf32, #tpu.memory_space<vmem>> -> memref<1x32x128xf32, #tpu.memory_space<vmem>>
    %dma_wait3A_790 = tpu.memref_squeeze %dma_wait3A_789 : memref<1x32x128xf32, #tpu.memory_space<vmem>> -> memref<32x128xf32, #tpu.memory_space<vmem>>
    %dma_wait3A_791 = arith.constant 0 : i32
    %dma_wait3A_792 = arith.constant 0 : i32
    %dma_wait3A_793 = tpu.memref_slice %arg4[%add3A_333, %dma_wait3A_791, %dma_wait3A_792] : memref<512x32x128xf32, #tpu.memory_space<hbm>> -> memref<1x32x128xf32, #tpu.memory_space<hbm>>
    %dma_wait3A_794 = tpu.memref_squeeze %dma_wait3A_793 : memref<1x32x128xf32, #tpu.memory_space<hbm>> -> memref<32x128xf32, #tpu.memory_space<hbm>>
    %dma_wait3A_795 = arith.constant 0 : i32
    %dma_wait3A_796 = arith.constant 0 : i32
    %dma_wait3A_797 = tpu.memref_slice %arg4[%add3A_333, %dma_wait3A_795, %dma_wait3A_796] : memref<512x32x128xf32, #tpu.memory_space<hbm>> -> memref<1x32x128xf32, #tpu.memory_space<hbm>>
    %dma_wait3A_798 = tpu.memref_squeeze %dma_wait3A_797 : memref<1x32x128xf32, #tpu.memory_space<hbm>> -> memref<32x128xf32, #tpu.memory_space<hbm>>
    %dma_wait3A_799 = arith.constant 0 : i32
    %dma_wait3A_800 = arith.constant 0 : i32
    %dma_wait3A_801 = tpu.memref_slice %arg7[%dma_wait3A_786, %dma_wait3A_799, %dma_wait3A_800] : memref<16x32x128xf32, #tpu.memory_space<vmem>> -> memref<1x32x128xf32, #tpu.memory_space<vmem>>
    %dma_wait3A_802 = tpu.memref_squeeze %dma_wait3A_801 : memref<1x32x128xf32, #tpu.memory_space<vmem>> -> memref<32x128xf32, #tpu.memory_space<vmem>>
    tpu.wait_dma2 semaphore(%arg9 : memref<!tpu.dma_semaphore, #tpu.memory_space<semaphore_mem>>) src(%dma_wait3A_802 : memref<32x128xf32, #tpu.memory_space<vmem>>) dst(%dma_wait3A_798 : memref<32x128xf32, #tpu.memory_space<hbm>>)
    %dma_wait3A_803 = arith.constant 4 : i32
    %dma_wait3A_804 = arith.constant 0 : i32
    %dma_wait3A_805 = arith.constant 0 : i32
    %dma_wait3A_806 = tpu.memref_slice %arg7[%dma_wait3A_803, %dma_wait3A_804, %dma_wait3A_805] : memref<16x32x128xf32, #tpu.memory_space<vmem>> -> memref<1x32x128xf32, #tpu.memory_space<vmem>>
    %dma_wait3A_807 = tpu.memref_squeeze %dma_wait3A_806 : memref<1x32x128xf32, #tpu.memory_space<vmem>> -> memref<32x128xf32, #tpu.memory_space<vmem>>
    %dma_wait3A_808 = arith.constant 0 : i32
    %dma_wait3A_809 = arith.constant 0 : i32
    %dma_wait3A_810 = tpu.memref_slice %arg4[%add3A_365, %dma_wait3A_808, %dma_wait3A_809] : memref<512x32x128xf32, #tpu.memory_space<hbm>> -> memref<1x32x128xf32, #tpu.memory_space<hbm>>
    %dma_wait3A_811 = tpu.memref_squeeze %dma_wait3A_810 : memref<1x32x128xf32, #tpu.memory_space<hbm>> -> memref<32x128xf32, #tpu.memory_space<hbm>>
    %dma_wait3A_812 = arith.constant 0 : i32
    %dma_wait3A_813 = arith.constant 0 : i32
    %dma_wait3A_814 = tpu.memref_slice %arg4[%add3A_365, %dma_wait3A_812, %dma_wait3A_813] : memref<512x32x128xf32, #tpu.memory_space<hbm>> -> memref<1x32x128xf32, #tpu.memory_space<hbm>>
    %dma_wait3A_815 = tpu.memref_squeeze %dma_wait3A_814 : memref<1x32x128xf32, #tpu.memory_space<hbm>> -> memref<32x128xf32, #tpu.memory_space<hbm>>
    %dma_wait3A_816 = arith.constant 0 : i32
    %dma_wait3A_817 = arith.constant 0 : i32
    %dma_wait3A_818 = tpu.memref_slice %arg7[%dma_wait3A_803, %dma_wait3A_816, %dma_wait3A_817] : memref<16x32x128xf32, #tpu.memory_space<vmem>> -> memref<1x32x128xf32, #tpu.memory_space<vmem>>
    %dma_wait3A_819 = tpu.memref_squeeze %dma_wait3A_818 : memref<1x32x128xf32, #tpu.memory_space<vmem>> -> memref<32x128xf32, #tpu.memory_space<vmem>>
    tpu.wait_dma2 semaphore(%arg9 : memref<!tpu.dma_semaphore, #tpu.memory_space<semaphore_mem>>) src(%dma_wait3A_819 : memref<32x128xf32, #tpu.memory_space<vmem>>) dst(%dma_wait3A_815 : memref<32x128xf32, #tpu.memory_space<hbm>>)
    %dma_wait3A_820 = arith.constant 5 : i32
    %dma_wait3A_821 = arith.constant 0 : i32
    %dma_wait3A_822 = arith.constant 0 : i32
    %dma_wait3A_823 = tpu.memref_slice %arg7[%dma_wait3A_820, %dma_wait3A_821, %dma_wait3A_822] : memref<16x32x128xf32, #tpu.memory_space<vmem>> -> memref<1x32x128xf32, #tpu.memory_space<vmem>>
    %dma_wait3A_824 = tpu.memref_squeeze %dma_wait3A_823 : memref<1x32x128xf32, #tpu.memory_space<vmem>> -> memref<32x128xf32, #tpu.memory_space<vmem>>
    %dma_wait3A_825 = arith.constant 0 : i32
    %dma_wait3A_826 = arith.constant 0 : i32
    %dma_wait3A_827 = tpu.memref_slice %arg4[%add3A_397, %dma_wait3A_825, %dma_wait3A_826] : memref<512x32x128xf32, #tpu.memory_space<hbm>> -> memref<1x32x128xf32, #tpu.memory_space<hbm>>
    %dma_wait3A_828 = tpu.memref_squeeze %dma_wait3A_827 : memref<1x32x128xf32, #tpu.memory_space<hbm>> -> memref<32x128xf32, #tpu.memory_space<hbm>>
    %dma_wait3A_829 = arith.constant 0 : i32
    %dma_wait3A_830 = arith.constant 0 : i32
    %dma_wait3A_831 = tpu.memref_slice %arg4[%add3A_397, %dma_wait3A_829, %dma_wait3A_830] : memref<512x32x128xf32, #tpu.memory_space<hbm>> -> memref<1x32x128xf32, #tpu.memory_space<hbm>>
    %dma_wait3A_832 = tpu.memref_squeeze %dma_wait3A_831 : memref<1x32x128xf32, #tpu.memory_space<hbm>> -> memref<32x128xf32, #tpu.memory_space<hbm>>
    %dma_wait3A_833 = arith.constant 0 : i32
    %dma_wait3A_834 = arith.constant 0 : i32
    %dma_wait3A_835 = tpu.memref_slice %arg7[%dma_wait3A_820, %dma_wait3A_833, %dma_wait3A_834] : memref<16x32x128xf32, #tpu.memory_space<vmem>> -> memref<1x32x128xf32, #tpu.memory_space<vmem>>
    %dma_wait3A_836 = tpu.memref_squeeze %dma_wait3A_835 : memref<1x32x128xf32, #tpu.memory_space<vmem>> -> memref<32x128xf32, #tpu.memory_space<vmem>>
    tpu.wait_dma2 semaphore(%arg9 : memref<!tpu.dma_semaphore, #tpu.memory_space<semaphore_mem>>) src(%dma_wait3A_836 : memref<32x128xf32, #tpu.memory_space<vmem>>) dst(%dma_wait3A_832 : memref<32x128xf32, #tpu.memory_space<hbm>>)
    %dma_wait3A_837 = arith.constant 6 : i32
    %dma_wait3A_838 = arith.constant 0 : i32
    %dma_wait3A_839 = arith.constant 0 : i32
    %dma_wait3A_840 = tpu.memref_slice %arg7[%dma_wait3A_837, %dma_wait3A_838, %dma_wait3A_839] : memref<16x32x128xf32, #tpu.memory_space<vmem>> -> memref<1x32x128xf32, #tpu.memory_space<vmem>>
    %dma_wait3A_841 = tpu.memref_squeeze %dma_wait3A_840 : memref<1x32x128xf32, #tpu.memory_space<vmem>> -> memref<32x128xf32, #tpu.memory_space<vmem>>
    %dma_wait3A_842 = arith.constant 0 : i32
    %dma_wait3A_843 = arith.constant 0 : i32
    %dma_wait3A_844 = tpu.memref_slice %arg4[%add3A_429, %dma_wait3A_842, %dma_wait3A_843] : memref<512x32x128xf32, #tpu.memory_space<hbm>> -> memref<1x32x128xf32, #tpu.memory_space<hbm>>
    %dma_wait3A_845 = tpu.memref_squeeze %dma_wait3A_844 : memref<1x32x128xf32, #tpu.memory_space<hbm>> -> memref<32x128xf32, #tpu.memory_space<hbm>>
    %dma_wait3A_846 = arith.constant 0 : i32
    %dma_wait3A_847 = arith.constant 0 : i32
    %dma_wait3A_848 = tpu.memref_slice %arg4[%add3A_429, %dma_wait3A_846, %dma_wait3A_847] : memref<512x32x128xf32, #tpu.memory_space<hbm>> -> memref<1x32x128xf32, #tpu.memory_space<hbm>>
    %dma_wait3A_849 = tpu.memref_squeeze %dma_wait3A_848 : memref<1x32x128xf32, #tpu.memory_space<hbm>> -> memref<32x128xf32, #tpu.memory_space<hbm>>
    %dma_wait3A_850 = arith.constant 0 : i32
    %dma_wait3A_851 = arith.constant 0 : i32
    %dma_wait3A_852 = tpu.memref_slice %arg7[%dma_wait3A_837, %dma_wait3A_850, %dma_wait3A_851] : memref<16x32x128xf32, #tpu.memory_space<vmem>> -> memref<1x32x128xf32, #tpu.memory_space<vmem>>
    %dma_wait3A_853 = tpu.memref_squeeze %dma_wait3A_852 : memref<1x32x128xf32, #tpu.memory_space<vmem>> -> memref<32x128xf32, #tpu.memory_space<vmem>>
    tpu.wait_dma2 semaphore(%arg9 : memref<!tpu.dma_semaphore, #tpu.memory_space<semaphore_mem>>) src(%dma_wait3A_853 : memref<32x128xf32, #tpu.memory_space<vmem>>) dst(%dma_wait3A_849 : memref<32x128xf32, #tpu.memory_space<hbm>>)
    %dma_wait3A_854 = arith.constant 7 : i32
    %dma_wait3A_855 = arith.constant 0 : i32
    %dma_wait3A_856 = arith.constant 0 : i32
    %dma_wait3A_857 = tpu.memref_slice %arg7[%dma_wait3A_854, %dma_wait3A_855, %dma_wait3A_856] : memref<16x32x128xf32, #tpu.memory_space<vmem>> -> memref<1x32x128xf32, #tpu.memory_space<vmem>>
    %dma_wait3A_858 = tpu.memref_squeeze %dma_wait3A_857 : memref<1x32x128xf32, #tpu.memory_space<vmem>> -> memref<32x128xf32, #tpu.memory_space<vmem>>
    %dma_wait3A_859 = arith.constant 0 : i32
    %dma_wait3A_860 = arith.constant 0 : i32
    %dma_wait3A_861 = tpu.memref_slice %arg4[%add3A_461, %dma_wait3A_859, %dma_wait3A_860] : memref<512x32x128xf32, #tpu.memory_space<hbm>> -> memref<1x32x128xf32, #tpu.memory_space<hbm>>
    %dma_wait3A_862 = tpu.memref_squeeze %dma_wait3A_861 : memref<1x32x128xf32, #tpu.memory_space<hbm>> -> memref<32x128xf32, #tpu.memory_space<hbm>>
    %dma_wait3A_863 = arith.constant 0 : i32
    %dma_wait3A_864 = arith.constant 0 : i32
    %dma_wait3A_865 = tpu.memref_slice %arg4[%add3A_461, %dma_wait3A_863, %dma_wait3A_864] : memref<512x32x128xf32, #tpu.memory_space<hbm>> -> memref<1x32x128xf32, #tpu.memory_space<hbm>>
    %dma_wait3A_866 = tpu.memref_squeeze %dma_wait3A_865 : memref<1x32x128xf32, #tpu.memory_space<hbm>> -> memref<32x128xf32, #tpu.memory_space<hbm>>
    %dma_wait3A_867 = arith.constant 0 : i32
    %dma_wait3A_868 = arith.constant 0 : i32
    %dma_wait3A_869 = tpu.memref_slice %arg7[%dma_wait3A_854, %dma_wait3A_867, %dma_wait3A_868] : memref<16x32x128xf32, #tpu.memory_space<vmem>> -> memref<1x32x128xf32, #tpu.memory_space<vmem>>
    %dma_wait3A_870 = tpu.memref_squeeze %dma_wait3A_869 : memref<1x32x128xf32, #tpu.memory_space<vmem>> -> memref<32x128xf32, #tpu.memory_space<vmem>>
    tpu.wait_dma2 semaphore(%arg9 : memref<!tpu.dma_semaphore, #tpu.memory_space<semaphore_mem>>) src(%dma_wait3A_870 : memref<32x128xf32, #tpu.memory_space<vmem>>) dst(%dma_wait3A_866 : memref<32x128xf32, #tpu.memory_space<hbm>>)
    %dma_wait3A_871 = arith.constant 8 : i32
    %dma_wait3A_872 = arith.constant 0 : i32
    %dma_wait3A_873 = arith.constant 0 : i32
    %dma_wait3A_874 = tpu.memref_slice %arg7[%dma_wait3A_871, %dma_wait3A_872, %dma_wait3A_873] : memref<16x32x128xf32, #tpu.memory_space<vmem>> -> memref<1x32x128xf32, #tpu.memory_space<vmem>>
    %dma_wait3A_875 = tpu.memref_squeeze %dma_wait3A_874 : memref<1x32x128xf32, #tpu.memory_space<vmem>> -> memref<32x128xf32, #tpu.memory_space<vmem>>
    %dma_wait3A_876 = arith.constant 0 : i32
    %dma_wait3A_877 = arith.constant 0 : i32
    %dma_wait3A_878 = tpu.memref_slice %arg4[%add3A_493, %dma_wait3A_876, %dma_wait3A_877] : memref<512x32x128xf32, #tpu.memory_space<hbm>> -> memref<1x32x128xf32, #tpu.memory_space<hbm>>
    %dma_wait3A_879 = tpu.memref_squeeze %dma_wait3A_878 : memref<1x32x128xf32, #tpu.memory_space<hbm>> -> memref<32x128xf32, #tpu.memory_space<hbm>>
    %dma_wait3A_880 = arith.constant 0 : i32
    %dma_wait3A_881 = arith.constant 0 : i32
    %dma_wait3A_882 = tpu.memref_slice %arg4[%add3A_493, %dma_wait3A_880, %dma_wait3A_881] : memref<512x32x128xf32, #tpu.memory_space<hbm>> -> memref<1x32x128xf32, #tpu.memory_space<hbm>>
    %dma_wait3A_883 = tpu.memref_squeeze %dma_wait3A_882 : memref<1x32x128xf32, #tpu.memory_space<hbm>> -> memref<32x128xf32, #tpu.memory_space<hbm>>
    %dma_wait3A_884 = arith.constant 0 : i32
    %dma_wait3A_885 = arith.constant 0 : i32
    %dma_wait3A_886 = tpu.memref_slice %arg7[%dma_wait3A_871, %dma_wait3A_884, %dma_wait3A_885] : memref<16x32x128xf32, #tpu.memory_space<vmem>> -> memref<1x32x128xf32, #tpu.memory_space<vmem>>
    %dma_wait3A_887 = tpu.memref_squeeze %dma_wait3A_886 : memref<1x32x128xf32, #tpu.memory_space<vmem>> -> memref<32x128xf32, #tpu.memory_space<vmem>>
    tpu.wait_dma2 semaphore(%arg9 : memref<!tpu.dma_semaphore, #tpu.memory_space<semaphore_mem>>) src(%dma_wait3A_887 : memref<32x128xf32, #tpu.memory_space<vmem>>) dst(%dma_wait3A_883 : memref<32x128xf32, #tpu.memory_space<hbm>>)
    %dma_wait3A_888 = arith.constant 9 : i32
    %dma_wait3A_889 = arith.constant 0 : i32
    %dma_wait3A_890 = arith.constant 0 : i32
    %dma_wait3A_891 = tpu.memref_slice %arg7[%dma_wait3A_888, %dma_wait3A_889, %dma_wait3A_890] : memref<16x32x128xf32, #tpu.memory_space<vmem>> -> memref<1x32x128xf32, #tpu.memory_space<vmem>>
    %dma_wait3A_892 = tpu.memref_squeeze %dma_wait3A_891 : memref<1x32x128xf32, #tpu.memory_space<vmem>> -> memref<32x128xf32, #tpu.memory_space<vmem>>
    %dma_wait3A_893 = arith.constant 0 : i32
    %dma_wait3A_894 = arith.constant 0 : i32
    %dma_wait3A_895 = tpu.memref_slice %arg4[%add3A_525, %dma_wait3A_893, %dma_wait3A_894] : memref<512x32x128xf32, #tpu.memory_space<hbm>> -> memref<1x32x128xf32, #tpu.memory_space<hbm>>
    %dma_wait3A_896 = tpu.memref_squeeze %dma_wait3A_895 : memref<1x32x128xf32, #tpu.memory_space<hbm>> -> memref<32x128xf32, #tpu.memory_space<hbm>>
    %dma_wait3A_897 = arith.constant 0 : i32
    %dma_wait3A_898 = arith.constant 0 : i32
    %dma_wait3A_899 = tpu.memref_slice %arg4[%add3A_525, %dma_wait3A_897, %dma_wait3A_898] : memref<512x32x128xf32, #tpu.memory_space<hbm>> -> memref<1x32x128xf32, #tpu.memory_space<hbm>>
    %dma_wait3A_900 = tpu.memref_squeeze %dma_wait3A_899 : memref<1x32x128xf32, #tpu.memory_space<hbm>> -> memref<32x128xf32, #tpu.memory_space<hbm>>
    %dma_wait3A_901 = arith.constant 0 : i32
    %dma_wait3A_902 = arith.constant 0 : i32
    %dma_wait3A_903 = tpu.memref_slice %arg7[%dma_wait3A_888, %dma_wait3A_901, %dma_wait3A_902] : memref<16x32x128xf32, #tpu.memory_space<vmem>> -> memref<1x32x128xf32, #tpu.memory_space<vmem>>
    %dma_wait3A_904 = tpu.memref_squeeze %dma_wait3A_903 : memref<1x32x128xf32, #tpu.memory_space<vmem>> -> memref<32x128xf32, #tpu.memory_space<vmem>>
    tpu.wait_dma2 semaphore(%arg9 : memref<!tpu.dma_semaphore, #tpu.memory_space<semaphore_mem>>) src(%dma_wait3A_904 : memref<32x128xf32, #tpu.memory_space<vmem>>) dst(%dma_wait3A_900 : memref<32x128xf32, #tpu.memory_space<hbm>>)
    %dma_wait3A_905 = arith.constant 10 : i32
    %dma_wait3A_906 = arith.constant 0 : i32
    %dma_wait3A_907 = arith.constant 0 : i32
    %dma_wait3A_908 = tpu.memref_slice %arg7[%dma_wait3A_905, %dma_wait3A_906, %dma_wait3A_907] : memref<16x32x128xf32, #tpu.memory_space<vmem>> -> memref<1x32x128xf32, #tpu.memory_space<vmem>>
    %dma_wait3A_909 = tpu.memref_squeeze %dma_wait3A_908 : memref<1x32x128xf32, #tpu.memory_space<vmem>> -> memref<32x128xf32, #tpu.memory_space<vmem>>
    %dma_wait3A_910 = arith.constant 0 : i32
    %dma_wait3A_911 = arith.constant 0 : i32
    %dma_wait3A_912 = tpu.memref_slice %arg4[%add3A_557, %dma_wait3A_910, %dma_wait3A_911] : memref<512x32x128xf32, #tpu.memory_space<hbm>> -> memref<1x32x128xf32, #tpu.memory_space<hbm>>
    %dma_wait3A_913 = tpu.memref_squeeze %dma_wait3A_912 : memref<1x32x128xf32, #tpu.memory_space<hbm>> -> memref<32x128xf32, #tpu.memory_space<hbm>>
    %dma_wait3A_914 = arith.constant 0 : i32
    %dma_wait3A_915 = arith.constant 0 : i32
    %dma_wait3A_916 = tpu.memref_slice %arg4[%add3A_557, %dma_wait3A_914, %dma_wait3A_915] : memref<512x32x128xf32, #tpu.memory_space<hbm>> -> memref<1x32x128xf32, #tpu.memory_space<hbm>>
    %dma_wait3A_917 = tpu.memref_squeeze %dma_wait3A_916 : memref<1x32x128xf32, #tpu.memory_space<hbm>> -> memref<32x128xf32, #tpu.memory_space<hbm>>
    %dma_wait3A_918 = arith.constant 0 : i32
    %dma_wait3A_919 = arith.constant 0 : i32
    %dma_wait3A_920 = tpu.memref_slice %arg7[%dma_wait3A_905, %dma_wait3A_918, %dma_wait3A_919] : memref<16x32x128xf32, #tpu.memory_space<vmem>> -> memref<1x32x128xf32, #tpu.memory_space<vmem>>
    %dma_wait3A_921 = tpu.memref_squeeze %dma_wait3A_920 : memref<1x32x128xf32, #tpu.memory_space<vmem>> -> memref<32x128xf32, #tpu.memory_space<vmem>>
    tpu.wait_dma2 semaphore(%arg9 : memref<!tpu.dma_semaphore, #tpu.memory_space<semaphore_mem>>) src(%dma_wait3A_921 : memref<32x128xf32, #tpu.memory_space<vmem>>) dst(%dma_wait3A_917 : memref<32x128xf32, #tpu.memory_space<hbm>>)
    %dma_wait3A_922 = arith.constant 11 : i32
    %dma_wait3A_923 = arith.constant 0 : i32
    %dma_wait3A_924 = arith.constant 0 : i32
    %dma_wait3A_925 = tpu.memref_slice %arg7[%dma_wait3A_922, %dma_wait3A_923, %dma_wait3A_924] : memref<16x32x128xf32, #tpu.memory_space<vmem>> -> memref<1x32x128xf32, #tpu.memory_space<vmem>>
    %dma_wait3A_926 = tpu.memref_squeeze %dma_wait3A_925 : memref<1x32x128xf32, #tpu.memory_space<vmem>> -> memref<32x128xf32, #tpu.memory_space<vmem>>
    %dma_wait3A_927 = arith.constant 0 : i32
    %dma_wait3A_928 = arith.constant 0 : i32
    %dma_wait3A_929 = tpu.memref_slice %arg4[%add3A_589, %dma_wait3A_927, %dma_wait3A_928] : memref<512x32x128xf32, #tpu.memory_space<hbm>> -> memref<1x32x128xf32, #tpu.memory_space<hbm>>
    %dma_wait3A_930 = tpu.memref_squeeze %dma_wait3A_929 : memref<1x32x128xf32, #tpu.memory_space<hbm>> -> memref<32x128xf32, #tpu.memory_space<hbm>>
    %dma_wait3A_931 = arith.constant 0 : i32
    %dma_wait3A_932 = arith.constant 0 : i32
    %dma_wait3A_933 = tpu.memref_slice %arg4[%add3A_589, %dma_wait3A_931, %dma_wait3A_932] : memref<512x32x128xf32, #tpu.memory_space<hbm>> -> memref<1x32x128xf32, #tpu.memory_space<hbm>>
    %dma_wait3A_934 = tpu.memref_squeeze %dma_wait3A_933 : memref<1x32x128xf32, #tpu.memory_space<hbm>> -> memref<32x128xf32, #tpu.memory_space<hbm>>
    %dma_wait3A_935 = arith.constant 0 : i32
    %dma_wait3A_936 = arith.constant 0 : i32
    %dma_wait3A_937 = tpu.memref_slice %arg7[%dma_wait3A_922, %dma_wait3A_935, %dma_wait3A_936] : memref<16x32x128xf32, #tpu.memory_space<vmem>> -> memref<1x32x128xf32, #tpu.memory_space<vmem>>
    %dma_wait3A_938 = tpu.memref_squeeze %dma_wait3A_937 : memref<1x32x128xf32, #tpu.memory_space<vmem>> -> memref<32x128xf32, #tpu.memory_space<vmem>>
    tpu.wait_dma2 semaphore(%arg9 : memref<!tpu.dma_semaphore, #tpu.memory_space<semaphore_mem>>) src(%dma_wait3A_938 : memref<32x128xf32, #tpu.memory_space<vmem>>) dst(%dma_wait3A_934 : memref<32x128xf32, #tpu.memory_space<hbm>>)
    %dma_wait3A_939 = arith.constant 12 : i32
    %dma_wait3A_940 = arith.constant 0 : i32
    %dma_wait3A_941 = arith.constant 0 : i32
    %dma_wait3A_942 = tpu.memref_slice %arg7[%dma_wait3A_939, %dma_wait3A_940, %dma_wait3A_941] : memref<16x32x128xf32, #tpu.memory_space<vmem>> -> memref<1x32x128xf32, #tpu.memory_space<vmem>>
    %dma_wait3A_943 = tpu.memref_squeeze %dma_wait3A_942 : memref<1x32x128xf32, #tpu.memory_space<vmem>> -> memref<32x128xf32, #tpu.memory_space<vmem>>
    %dma_wait3A_944 = arith.constant 0 : i32
    %dma_wait3A_945 = arith.constant 0 : i32
    %dma_wait3A_946 = tpu.memref_slice %arg4[%add3A_621, %dma_wait3A_944, %dma_wait3A_945] : memref<512x32x128xf32, #tpu.memory_space<hbm>> -> memref<1x32x128xf32, #tpu.memory_space<hbm>>
    %dma_wait3A_947 = tpu.memref_squeeze %dma_wait3A_946 : memref<1x32x128xf32, #tpu.memory_space<hbm>> -> memref<32x128xf32, #tpu.memory_space<hbm>>
    %dma_wait3A_948 = arith.constant 0 : i32
    %dma_wait3A_949 = arith.constant 0 : i32
    %dma_wait3A_950 = tpu.memref_slice %arg4[%add3A_621, %dma_wait3A_948, %dma_wait3A_949] : memref<512x32x128xf32, #tpu.memory_space<hbm>> -> memref<1x32x128xf32, #tpu.memory_space<hbm>>
    %dma_wait3A_951 = tpu.memref_squeeze %dma_wait3A_950 : memref<1x32x128xf32, #tpu.memory_space<hbm>> -> memref<32x128xf32, #tpu.memory_space<hbm>>
    %dma_wait3A_952 = arith.constant 0 : i32
    %dma_wait3A_953 = arith.constant 0 : i32
    %dma_wait3A_954 = tpu.memref_slice %arg7[%dma_wait3A_939, %dma_wait3A_952, %dma_wait3A_953] : memref<16x32x128xf32, #tpu.memory_space<vmem>> -> memref<1x32x128xf32, #tpu.memory_space<vmem>>
    %dma_wait3A_955 = tpu.memref_squeeze %dma_wait3A_954 : memref<1x32x128xf32, #tpu.memory_space<vmem>> -> memref<32x128xf32, #tpu.memory_space<vmem>>
    tpu.wait_dma2 semaphore(%arg9 : memref<!tpu.dma_semaphore, #tpu.memory_space<semaphore_mem>>) src(%dma_wait3A_955 : memref<32x128xf32, #tpu.memory_space<vmem>>) dst(%dma_wait3A_951 : memref<32x128xf32, #tpu.memory_space<hbm>>)
    %dma_wait3A_956 = arith.constant 13 : i32
    %dma_wait3A_957 = arith.constant 0 : i32
    %dma_wait3A_958 = arith.constant 0 : i32
    %dma_wait3A_959 = tpu.memref_slice %arg7[%dma_wait3A_956, %dma_wait3A_957, %dma_wait3A_958] : memref<16x32x128xf32, #tpu.memory_space<vmem>> -> memref<1x32x128xf32, #tpu.memory_space<vmem>>
    %dma_wait3A_960 = tpu.memref_squeeze %dma_wait3A_959 : memref<1x32x128xf32, #tpu.memory_space<vmem>> -> memref<32x128xf32, #tpu.memory_space<vmem>>
    %dma_wait3A_961 = arith.constant 0 : i32
    %dma_wait3A_962 = arith.constant 0 : i32
    %dma_wait3A_963 = tpu.memref_slice %arg4[%add3A_653, %dma_wait3A_961, %dma_wait3A_962] : memref<512x32x128xf32, #tpu.memory_space<hbm>> -> memref<1x32x128xf32, #tpu.memory_space<hbm>>
    %dma_wait3A_964 = tpu.memref_squeeze %dma_wait3A_963 : memref<1x32x128xf32, #tpu.memory_space<hbm>> -> memref<32x128xf32, #tpu.memory_space<hbm>>
    %dma_wait3A_965 = arith.constant 0 : i32
    %dma_wait3A_966 = arith.constant 0 : i32
    %dma_wait3A_967 = tpu.memref_slice %arg4[%add3A_653, %dma_wait3A_965, %dma_wait3A_966] : memref<512x32x128xf32, #tpu.memory_space<hbm>> -> memref<1x32x128xf32, #tpu.memory_space<hbm>>
    %dma_wait3A_968 = tpu.memref_squeeze %dma_wait3A_967 : memref<1x32x128xf32, #tpu.memory_space<hbm>> -> memref<32x128xf32, #tpu.memory_space<hbm>>
    %dma_wait3A_969 = arith.constant 0 : i32
    %dma_wait3A_970 = arith.constant 0 : i32
    %dma_wait3A_971 = tpu.memref_slice %arg7[%dma_wait3A_956, %dma_wait3A_969, %dma_wait3A_970] : memref<16x32x128xf32, #tpu.memory_space<vmem>> -> memref<1x32x128xf32, #tpu.memory_space<vmem>>
    %dma_wait3A_972 = tpu.memref_squeeze %dma_wait3A_971 : memref<1x32x128xf32, #tpu.memory_space<vmem>> -> memref<32x128xf32, #tpu.memory_space<vmem>>
    tpu.wait_dma2 semaphore(%arg9 : memref<!tpu.dma_semaphore, #tpu.memory_space<semaphore_mem>>) src(%dma_wait3A_972 : memref<32x128xf32, #tpu.memory_space<vmem>>) dst(%dma_wait3A_968 : memref<32x128xf32, #tpu.memory_space<hbm>>)
    %dma_wait3A_973 = arith.constant 14 : i32
    %dma_wait3A_974 = arith.constant 0 : i32
    %dma_wait3A_975 = arith.constant 0 : i32
    %dma_wait3A_976 = tpu.memref_slice %arg7[%dma_wait3A_973, %dma_wait3A_974, %dma_wait3A_975] : memref<16x32x128xf32, #tpu.memory_space<vmem>> -> memref<1x32x128xf32, #tpu.memory_space<vmem>>
    %dma_wait3A_977 = tpu.memref_squeeze %dma_wait3A_976 : memref<1x32x128xf32, #tpu.memory_space<vmem>> -> memref<32x128xf32, #tpu.memory_space<vmem>>
    %dma_wait3A_978 = arith.constant 0 : i32
    %dma_wait3A_979 = arith.constant 0 : i32
    %dma_wait3A_980 = tpu.memref_slice %arg4[%add3A_685, %dma_wait3A_978, %dma_wait3A_979] : memref<512x32x128xf32, #tpu.memory_space<hbm>> -> memref<1x32x128xf32, #tpu.memory_space<hbm>>
    %dma_wait3A_981 = tpu.memref_squeeze %dma_wait3A_980 : memref<1x32x128xf32, #tpu.memory_space<hbm>> -> memref<32x128xf32, #tpu.memory_space<hbm>>
    %dma_wait3A_982 = arith.constant 0 : i32
    %dma_wait3A_983 = arith.constant 0 : i32
    %dma_wait3A_984 = tpu.memref_slice %arg4[%add3A_685, %dma_wait3A_982, %dma_wait3A_983] : memref<512x32x128xf32, #tpu.memory_space<hbm>> -> memref<1x32x128xf32, #tpu.memory_space<hbm>>
    %dma_wait3A_985 = tpu.memref_squeeze %dma_wait3A_984 : memref<1x32x128xf32, #tpu.memory_space<hbm>> -> memref<32x128xf32, #tpu.memory_space<hbm>>
    %dma_wait3A_986 = arith.constant 0 : i32
    %dma_wait3A_987 = arith.constant 0 : i32
    %dma_wait3A_988 = tpu.memref_slice %arg7[%dma_wait3A_973, %dma_wait3A_986, %dma_wait3A_987] : memref<16x32x128xf32, #tpu.memory_space<vmem>> -> memref<1x32x128xf32, #tpu.memory_space<vmem>>
    %dma_wait3A_989 = tpu.memref_squeeze %dma_wait3A_988 : memref<1x32x128xf32, #tpu.memory_space<vmem>> -> memref<32x128xf32, #tpu.memory_space<vmem>>
    tpu.wait_dma2 semaphore(%arg9 : memref<!tpu.dma_semaphore, #tpu.memory_space<semaphore_mem>>) src(%dma_wait3A_989 : memref<32x128xf32, #tpu.memory_space<vmem>>) dst(%dma_wait3A_985 : memref<32x128xf32, #tpu.memory_space<hbm>>)
    %dma_wait3A_990 = arith.constant 15 : i32
    %dma_wait3A_991 = arith.constant 0 : i32
    %dma_wait3A_992 = arith.constant 0 : i32
    %dma_wait3A_993 = tpu.memref_slice %arg7[%dma_wait3A_990, %dma_wait3A_991, %dma_wait3A_992] : memref<16x32x128xf32, #tpu.memory_space<vmem>> -> memref<1x32x128xf32, #tpu.memory_space<vmem>>
    %dma_wait3A_994 = tpu.memref_squeeze %dma_wait3A_993 : memref<1x32x128xf32, #tpu.memory_space<vmem>> -> memref<32x128xf32, #tpu.memory_space<vmem>>
    %dma_wait3A_995 = arith.constant 0 : i32
    %dma_wait3A_996 = arith.constant 0 : i32
    %dma_wait3A_997 = tpu.memref_slice %arg4[%add3A_717, %dma_wait3A_995, %dma_wait3A_996] : memref<512x32x128xf32, #tpu.memory_space<hbm>> -> memref<1x32x128xf32, #tpu.memory_space<hbm>>
    %dma_wait3A_998 = tpu.memref_squeeze %dma_wait3A_997 : memref<1x32x128xf32, #tpu.memory_space<hbm>> -> memref<32x128xf32, #tpu.memory_space<hbm>>
    %dma_wait3A_999 = arith.constant 0 : i32
    %dma_wait3A_1000 = arith.constant 0 : i32
    %dma_wait3A_1001 = tpu.memref_slice %arg4[%add3A_717, %dma_wait3A_999, %dma_wait3A_1000] : memref<512x32x128xf32, #tpu.memory_space<hbm>> -> memref<1x32x128xf32, #tpu.memory_space<hbm>>
    %dma_wait3A_1002 = tpu.memref_squeeze %dma_wait3A_1001 : memref<1x32x128xf32, #tpu.memory_space<hbm>> -> memref<32x128xf32, #tpu.memory_space<hbm>>
    %dma_wait3A_1003 = arith.constant 0 : i32
    %dma_wait3A_1004 = arith.constant 0 : i32
    %dma_wait3A_1005 = tpu.memref_slice %arg7[%dma_wait3A_990, %dma_wait3A_1003, %dma_wait3A_1004] : memref<16x32x128xf32, #tpu.memory_space<vmem>> -> memref<1x32x128xf32, #tpu.memory_space<vmem>>
    %dma_wait3A_1006 = tpu.memref_squeeze %dma_wait3A_1005 : memref<1x32x128xf32, #tpu.memory_space<vmem>> -> memref<32x128xf32, #tpu.memory_space<vmem>>
    tpu.wait_dma2 semaphore(%arg9 : memref<!tpu.dma_semaphore, #tpu.memory_space<semaphore_mem>>) src(%dma_wait3A_1006 : memref<32x128xf32, #tpu.memory_space<vmem>>) dst(%dma_wait3A_1002 : memref<32x128xf32, #tpu.memory_space<hbm>>)
    return
  }
}

module attributes {stable_mosaic.version = 14 : i64} {
  func.func @_prep_body(%arg0: memref<1000x64xf32, #tpu.memory_space<vmem>>, %arg1: memref<1x64xf32, #tpu.memory_space<vmem>>, %arg2: memref<1x64xf32, #tpu.memory_space<vmem>>, %arg3: memref<1x1xi32, #tpu.memory_space<vmem>>, %arg4: memref<8x64xf32, #tpu.memory_space<vmem>>, %arg5: memref<1x64xf32, #tpu.memory_space<vmem>>, %arg6: memref<1x64xf32, #tpu.memory_space<vmem>>, %arg7: memref<1024x128xf32, #tpu.memory_space<vmem>>) attributes {dimension_semantics = [], scalar_prefetch = 0 : i64, scratch_operands = 0 : i64, tpu.core_type = #tpu.core_type<tc>} {
    %get3A = arith.constant 0 : index
    %get3A_0 = arith.constant 0 : index
    %get3A_1 = vector.load %arg0[%get3A, %get3A_0] : memref<1000x64xf32, #tpu.memory_space<vmem>>, vector<1000x64xf32>
    %reduce_sum3A = arith.constant dense<0.000000e+00> : vector<1000xf32>
    %reduce_sum3A_2 = vector.multi_reduction <add>, %get3A_1, %reduce_sum3A [1] : vector<1000x64xf32> to vector<1000xf32>
    %broadcast_in_dim3A = vector.shape_cast %reduce_sum3A_2 : vector<1000xf32> to vector<1000x1xf32>
    %div3A = arith.constant 6.400000e+01 : f32
    %div3A_3 = vector.broadcast %div3A : f32 to vector<1000x1xf32>
    %div3A_4 = arith.divf %broadcast_in_dim3A, %div3A_3 : vector<1000x1xf32>
    %sub3A = vector.broadcast %div3A_4 : vector<1000x1xf32> to vector<1000x64xf32>
    %sub3A_5 = arith.subf %get3A_1, %sub3A : vector<1000x64xf32>
    %mul3A = arith.mulf %sub3A_5, %sub3A_5 : vector<1000x64xf32>
    %reduce_sum3A_6 = arith.constant dense<0.000000e+00> : vector<1000xf32>
    %reduce_sum3A_7 = vector.multi_reduction <add>, %mul3A, %reduce_sum3A_6 [1] : vector<1000x64xf32> to vector<1000xf32>
    %broadcast_in_dim3A_8 = vector.shape_cast %reduce_sum3A_7 : vector<1000xf32> to vector<1000x1xf32>
    %div3A_9 = arith.constant 6.400000e+01 : f32
    %div3A_10 = vector.broadcast %div3A_9 : f32 to vector<1000x1xf32>
    %div3A_11 = arith.divf %broadcast_in_dim3A_8, %div3A_10 : vector<1000x1xf32>
    %add3A = arith.constant 9.99999974E-6 : f32
    %add3A_12 = vector.broadcast %add3A : f32 to vector<1000x1xf32>
    %add3A_13 = arith.addf %div3A_11, %add3A_12 : vector<1000x1xf32>
    %rsqrt3A = math.rsqrt %add3A_13 : vector<1000x1xf32>
    %mul3A_14 = vector.broadcast %rsqrt3A : vector<1000x1xf32> to vector<1000x64xf32>
    %mul3A_15 = arith.mulf %sub3A_5, %mul3A_14 : vector<1000x64xf32>
    %get3A_16 = arith.constant 0 : index
    %get3A_17 = arith.constant 0 : index
    %get3A_18 = vector.load %arg1[%get3A_16, %get3A_17] : memref<1x64xf32, #tpu.memory_space<vmem>>, vector<1x64xf32>
    %mul3A_19 = vector.broadcast %get3A_18 : vector<1x64xf32> to vector<1000x64xf32>
    %mul3A_20 = arith.mulf %mul3A_15, %mul3A_19 : vector<1000x64xf32>
    %get3A_21 = arith.constant 0 : index
    %get3A_22 = arith.constant 0 : index
    %get3A_23 = vector.load %arg2[%get3A_21, %get3A_22] : memref<1x64xf32, #tpu.memory_space<vmem>>, vector<1x64xf32>
    %add3A_24 = vector.broadcast %get3A_23 : vector<1x64xf32> to vector<1000x64xf32>
    %add3A_25 = arith.addf %mul3A_20, %add3A_24 : vector<1000x64xf32>
    %get3A_26 = arith.constant 0 : index
    %get3A_27 = arith.constant 0 : index
    %get3A_28 = vector.load %arg4[%get3A_26, %get3A_27] : memref<8x64xf32, #tpu.memory_space<vmem>>, vector<8x64xf32>
    %iota3A = tpu.iota {dimensions = array<i32: 0>} : vector<8x64xi32>
    %get3A_29 = arith.constant 0 : index
    %get3A_30 = arith.constant 0 : index
    %get3A_31 = vector.load %arg3[%get3A_29, %get3A_30] : memref<1x1xi32, #tpu.memory_space<vmem>>, vector<1x1xi32>
    %eq3A = vector.broadcast %get3A_31 : vector<1x1xi32> to vector<8x64xi32>
    %eq3A_32 = arith.cmpi eq, %iota3A, %eq3A : vector<8x64xi32>
    %jit3A = arith.constant 0.000000e+00 : f32
    %broadcast_in_dim3A_33 = vector.broadcast %jit3A : f32 to vector<8x64xf32>
    %select_n3A = arith.select %eq3A_32, %get3A_28, %broadcast_in_dim3A_33 : vector<8x64xi1>, vector<8x64xf32>
    %reduce_sum3A_34 = arith.constant dense<0.000000e+00> : vector<64xf32>
    %reduce_sum3A_35 = vector.multi_reduction <add>, %select_n3A, %reduce_sum3A_34 [0] : vector<8x64xf32> to vector<64xf32>
    %broadcast_in_dim3A_36 = vector.shape_cast %reduce_sum3A_35 : vector<64xf32> to vector<1x64xf32>
    %reduce_sum3A_37 = arith.constant dense<0.000000e+00> : vector<1xf32>
    %reduce_sum3A_38 = vector.multi_reduction <add>, %broadcast_in_dim3A_36, %reduce_sum3A_37 [1] : vector<1x64xf32> to vector<1xf32>
    %broadcast_in_dim3A_39 = vector.shape_cast %reduce_sum3A_38 : vector<1xf32> to vector<1x1xf32>
    %div3A_40 = arith.constant 6.400000e+01 : f32
    %div3A_41 = vector.broadcast %div3A_40 : f32 to vector<1x1xf32>
    %div3A_42 = arith.divf %broadcast_in_dim3A_39, %div3A_41 : vector<1x1xf32>
    %sub3A_43 = vector.broadcast %div3A_42 : vector<1x1xf32> to vector<1x64xf32>
    %sub3A_44 = arith.subf %broadcast_in_dim3A_36, %sub3A_43 : vector<1x64xf32>
    %mul3A_45 = arith.mulf %sub3A_44, %sub3A_44 : vector<1x64xf32>
    %reduce_sum3A_46 = arith.constant dense<0.000000e+00> : vector<1xf32>
    %reduce_sum3A_47 = vector.multi_reduction <add>, %mul3A_45, %reduce_sum3A_46 [1] : vector<1x64xf32> to vector<1xf32>
    %broadcast_in_dim3A_48 = vector.shape_cast %reduce_sum3A_47 : vector<1xf32> to vector<1x1xf32>
    %div3A_49 = arith.constant 6.400000e+01 : f32
    %div3A_50 = vector.broadcast %div3A_49 : f32 to vector<1x1xf32>
    %div3A_51 = arith.divf %broadcast_in_dim3A_48, %div3A_50 : vector<1x1xf32>
    %add3A_52 = arith.constant 9.99999974E-6 : f32
    %add3A_53 = vector.broadcast %add3A_52 : f32 to vector<1x1xf32>
    %add3A_54 = arith.addf %div3A_51, %add3A_53 : vector<1x1xf32>
    %rsqrt3A_55 = math.rsqrt %add3A_54 : vector<1x1xf32>
    %mul3A_56 = vector.broadcast %rsqrt3A_55 : vector<1x1xf32> to vector<1x64xf32>
    %mul3A_57 = arith.mulf %sub3A_44, %mul3A_56 : vector<1x64xf32>
    %get3A_58 = arith.constant 0 : index
    %get3A_59 = arith.constant 0 : index
    %get3A_60 = vector.load %arg5[%get3A_58, %get3A_59] : memref<1x64xf32, #tpu.memory_space<vmem>>, vector<1x64xf32>
    %mul3A_61 = arith.mulf %mul3A_57, %get3A_60 : vector<1x64xf32>
    %get3A_62 = arith.constant 0 : index
    %get3A_63 = arith.constant 0 : index
    %get3A_64 = vector.load %arg6[%get3A_62, %get3A_63] : memref<1x64xf32, #tpu.memory_space<vmem>>, vector<1x64xf32>
    %add3A_65 = arith.addf %mul3A_61, %get3A_64 : vector<1x64xf32>
    %broadcast_in_dim3A_66 = vector.shape_cast %add3A_65 : vector<1x64xf32> to vector<1x64xf32>
    %broadcast_in_dim3A_67 = vector.broadcast %broadcast_in_dim3A_66 : vector<1x64xf32> to vector<1000x64xf32>
    %concatenate3A = tpu.concatenate %add3A_25, %broadcast_in_dim3A_67 in 1 : vector<1000x64xf32>, vector<1000x64xf32> -> vector<1000x128xf32>
    %swap3A = arith.constant 0 : index
    %swap3A_68 = arith.constant 0 : index
    %swap3A_69 = vector.load %arg7[%swap3A, %swap3A_68] : memref<1024x128xf32, #tpu.memory_space<vmem>>, vector<1000x128xf32>
    tpu.vector_store %arg7[%swap3A, %swap3A_68], %concatenate3A {strides = array<i32>} : memref<1024x128xf32, #tpu.memory_space<vmem>>, vector<1000x128xf32>,
    return
  }
}

</mosaic_0001>

<sc_bundles>
// kernel: kernel.4.cloned.1.call-start
scs
__scs_entry_jumppad:
0x0: {  	(pc) =	sbr.rel $0x88, $3  }
0x1: {  	(tag) =	ssettag $0x0;
	lr =	simm.s32 $0x1  }
0x2: {  	[smem:$0x3F99] =	sst lr;
	_ =	strace $0xD0000000  }
0x3: {  	_ = 	snop  }
0x4: {  	_ = 	snop  }
0x5: {  	_ = 	snop  }
0x6: {  	_ = 	snop  }
0x7: {  	_ = 	snop  }
__scs_overlays_trampoline_lowered:
0x8: {  	[smem:$0x3FA8] =	sst s0  }
0x9: {  	[smem:$0x3FA9] =	sst s1  }
0xa: {  	[smem:$0x3FAA] =	sst s2  }
0xb: {  	[smem:$0x3FAB] =	sst s3  }
0xc: {  	[smem:$0x3FAC] =	sst s4  }
0xd: {  	[smem:$0x3FAD] =	sst s5  }
0xe: {  	[smem:$0x3FAE] =	sst s6  }
0xf: {  	[smem:$0x3FAF] =	sst s7  }
0x10: {  	[smem:$0x3FB0] =	sst s8  }
0x11: {  	[smem:$0x3FB1] =	sst s9;
	s0 =	simm.s32 @!p0 $0x0  }
0x12: {  	s1 =	sld [smem:$0x3F97];
	s0 =	simm.s32 @p0 $0x1  }
0x13: {  	[smem:$0x3FB2] =	sst s0;
	s0 =	simm.s32 @!p1 $0x0  }
0x14: {  	s2 =	sld [smem:$0x3F96];
	s0 =	simm.s32 @p1 $0x1  }
0x15: {  	[smem:$0x3FB3] =	sst s0;
	s0 =	simm.s32 @!p2 $0x0  }
0x16: {  	s3 =	sld [smem:$0x3FDB];
	s0 =	simm.s32 @p2 $0x1  }
0x17: {  	s4 =	simm.s32 $0x1BF5;
	[smem:$0x3FB5] =	sst s0  }
0x18: {  	s0 =	sld [smem:$0x3F98];
	_ =	swait.ge [sflag:s4], $0x0  }
0x19: {  	s7 =	sld [smem:$0x3F99]  }
0x1a: {  	s8 =	sadd.s32 $0xFFFFE003, lr  }
0x1b: {  	s9 =	sadd.s32 $0xFFFFFEF7, lr;
	s5 =	simm.s32 $0xFFFFFFFF;
	p2 =	slt.u32 s8, $0xFFFFF086  }
0x1c: {  	p1 =	slt.u32 s9, $0xF7A;
	s5 =	simm.s32 @!p2 $0x0  }
0x1d: {  	s5 =	simm.s32 @p1 $0x1;
	p0 =	seq.s32 s7, s2  }
0x1e: {  	s7 =	smul.u32 @!p0 $0xF7A, s2;
	p2 =	seq.s32 @!p0 s5, $0x0  }
0x1f: {  	s9 =	smul.u32 $0xF7A, s1;
	s8 =	simm.s32 @!p0 $0x1BF5;
	p2 =	por !p2, p0  }
0x20: {  	[sflag:s8] =	ssyncset.s32 @!p0 $0xFFFFF086;
	s6 =	sadd.s32 @!p0 s3, s7;
	s7 =	simm.s32 @!p0 $0x108  }
0x21: {  	s3 =	sadd.s32 s3, s9;
	s6 =	sadd.s32 @!p0 $0x88, s6;
	s7 =	simm.s32 @p2 $0x1082  }
0x22: {  	[simem:s7], [sflag:s8] =	dma.local @!p0 [hbm:s6], $0xF7A  }
0x23: {  	s9 =	sor.u32 $0xD0000000, s2;
	s6 =	simm.s32 $0x108;
	_ =	swait.ge @!p0 [sflag:s8], $0x0  }
0x24: {  	s3 =	sadd.s32 $0x88, s3;
	s6 =	simm.s32 @!p1 $0x1082;
	[sflag:s4] =	ssyncset.s32 $0xFFFFF086  }
0x25: {  	[simem:s6], [sflag:s4] =	dma.local [hbm:s3], $0xF7A  }
0x26: {  	[smem:$0x3F99] =	sst s1;
	(tag) =	ssettag s2;
	_ =	strace s9  }
0x27: {  	s1 =	sld [smem:$0x3FA9]  }
0x28: {  	s2 =	sld [smem:$0x3FAA]  }
0x29: {  	s4 =	sld [smem:$0x3FAC]  }
0x2a: {  	p0 =	seq.s32 s5, $0x0;
	s5 =	sld [smem:$0x3FAD]  }
0x2b: {  	s6 =	sld [smem:$0x3FAE]  }
0x2c: {  	s7 =	sld [smem:$0x3FAF]  }
0x2d: {  	s3 =	simm.s32 $0x108;
	s8 =	sld [smem:$0x3FB0]  }
0x2e: {  	s3 =	simm.s32 @!p0 $0x1082;
	s9 =	sld [smem:$0x3FB1]  }
0x2f: {  	lr =	sadd.s32 s0, s3;
	s0 =	sld [smem:$0x3FA8]  }
0x30: {  	s3 =	sld [smem:$0x3FAB]  }
0x31: {  	[smem:$0x3FB4] =	sst s10  }
0x32: {  	s10 =	sld [smem:$0x3FB2];
	_ =	sdelay $0x3  }
0x33: {  	p0 =	seq.s32 s10, $0x1;
	s10 =	sld [smem:$0x3FB4];
	_ =	sdelay $0x3  }
0x34: {  	[smem:$0x3FB4] =	sst s10  }
0x35: {  	s10 =	sld [smem:$0x3FB3];
	_ =	sdelay $0x3  }
0x36: {  	p1 =	seq.s32 s10, $0x1;
	s10 =	sld [smem:$0x3FB4];
	_ =	sdelay $0x3  }
0x37: {  	[smem:$0x3FB4] =	sst s10  }
0x38: {  	s10 =	sld [smem:$0x3FB5]  }
0x39: {  	_ = 	snop;
	(pc) =	sbr.ind lr, $3  }
0x3a: {  	_ = 	snop  }
0x3b: {  	_ = 	snop  }
0x3c: {  	p2 =	seq.s32 s10, $0x1;
	s10 =	sld [smem:$0x3FB4]  }
0x3d: {  	_ =	shalt  }
0x3e: {  	_ =	shalt  }
0x3f: {  	_ =	shalt  }
0x40: {  	_ =	shalt  }
0x41: {  	_ =	shalt  }
0x42: {  	_ =	shalt  }
0x43: {  	_ =	shalt  }
0x44: {  	_ =	shalt  }
0x45: {  	_ =	shalt  }
0x46: {  	_ =	shalt  }
0x47: {  	_ =	shalt  }
0x48: {  	_ =	shalt  }
0x49: {  	_ =	shalt  }
0x4a: {  	_ =	shalt  }
0x4b: {  	_ =	shalt  }
0x4c: {  	_ =	shalt  }
0x4d: {  	_ =	shalt  }
0x4e: {  	_ =	shalt  }
0x4f: {  	_ =	shalt  }
0x50: {  	_ =	shalt  }
0x51: {  	_ =	shalt  }
0x52: {  	_ =	shalt  }
0x53: {  	_ =	shalt  }
0x54: {  	_ =	shalt  }
0x55: {  	_ =	shalt  }
0x56: {  	_ =	shalt  }
0x57: {  	_ =	shalt  }
0x58: {  	_ =	shalt  }
0x59: {  	_ =	shalt  }
0x5a: {  	_ =	shalt  }
0x5b: {  	_ =	shalt  }
0x5c: {  	_ =	shalt  }
0x5d: {  	_ =	shalt  }
0x5e: {  	_ =	shalt  }
0x5f: {  	_ =	shalt  }
0x60: {  	_ =	shalt  }
0x61: {  	_ =	shalt  }
0x62: {  	_ =	shalt  }
0x63: {  	_ =	shalt  }
0x64: {  	_ =	shalt  }
0x65: {  	_ =	shalt  }
0x66: {  	_ =	shalt  }
0x67: {  	_ =	shalt  }
0x68: {  	_ =	shalt  }
0x69: {  	_ =	shalt  }
0x6a: {  	_ =	shalt  }
0x6b: {  	_ =	shalt  }
0x6c: {  	_ =	shalt  }
0x6d: {  	_ =	shalt  }
0x6e: {  	_ =	shalt  }
0x6f: {  	_ =	shalt  }
0x70: {  	_ =	shalt  }
0x71: {  	_ =	shalt  }
0x72: {  	_ =	shalt  }
0x73: {  	_ =	shalt  }
0x74: {  	_ =	shalt  }
0x75: {  	_ =	shalt  }
0x76: {  	_ =	shalt  }
0x77: {  	_ =	shalt  }
0x78: {  	_ =	shalt  }
0x79: {  	_ =	shalt  }
0x7a: {  	_ =	shalt  }
0x7b: {  	_ =	shalt  }
0x7c: {  	_ =	shalt  }
0x7d: {  	_ =	shalt  }
0x7e: {  	_ =	shalt  }
0x7f: {  	_ =	shalt  }
0x80: {  	_ =	shalt  }
0x81: {  	_ =	shalt  }
0x82: {  	_ =	shalt  }
0x83: {  	_ =	shalt  }
0x84: {  	_ =	shalt  }
0x85: {  	_ =	shalt  }
0x86: {  	_ =	shalt  }
0x87: {  	_ =	shalt  }
.Lfunc_end0:
.L_simem_size_0:
called_computation_lowered:
.L_overlay_start_0:
0x88: {  	s2 =	sld [smem:$0x3FD9]  }
0x89: {  	s3 =	sld [smem:$0x3FFE];
	_ =	sdelay $0x1  }
0x8a: {  	s1 =	srdreg.scid  }
0x8b: {  	s0 =	sand.u32 $0x1, s1  }
0x8c: {  	s17 =	sshll.u32 s0, $0xA;
	s2 =	sadd.s32 s3, s2  }
0x8d: {  	s2 =	sadd.s32 s2, s17  }
0x8e: {  	[smem:$0x3FC0] =	sst s2  }
0x8f: {  	_ = 	snop  }
0x90: {  	s2 =	sld [smem:$0x3FC9]  }
0x91: {  	s18 =	sld [smem:$0x3FD0];
	(tm) =	ssettm $0x1  }
0x92: {  	s4 =	sld [smem:$0x3FFB];
	_ =	sdelay $0x3  }
0x93: {  	_ =	strace s4  }
0x94: {  	s4 =	sld [smem:$0x3FFC];
	_ =	sdelay $0x3  }
0x95: {  	_ =	strace s4  }
0x96: {  	s4 =	sld [smem:$0x3FFD];
	_ =	sdelay $0x3  }
0x97: {  	_ =	strace s4  }
0x98: {  	_ =	strace $0x8FFFFFFF  }
0x99: {  	s19 =	sld [smem:$0x3FDB];
	_ =	sdelay $0x1  }
0x9a: {  	s5 =	simm.s32 $_scs_section_size  }
0x9b: {  	s6 =	simm.s32 $_size__tile_overlayer_lowered;
	s7 =	simm.s32 $_tile_overlayer_lowered  }
0x9c: {  	s22 =	simm.s32 $0x1BFF;
	s21 =	sshll.u32 s7, $0x1;
	s4 =	sadd.s32 s5, s19  }
0x9d: {  	s8 =	simm.s32 $0x0;
	s20 =	sshll.u32 s6, $0x1;
	s6 =	sadd.s32 s21, s4  }
0x9e: {  	[timem:s8], [sflag:s22] =	dma.local [hbm:s6], s20  }
0x9f: {  	_ =	swait.ge [sflag:s22], s20  }
0xa0: {  	s5 =	ssub.s32 $0x0, s20;
	[sflag:s22] =	ssyncset.done $0x0  }
0xa1: {  	[sflag:s22] =	ssyncadd.s32 s5;
	_ =	sdelay $0x1  }
0xa2: {  	s23 =	simm.s32 $0x1B8B  }
0xa3: {  	_ =	swait.ge [sflag:s23], $0x1  }
0xa4: {  	[sflag:s23] =	ssyncset.done $0x0  }
0xa5: {  	s25 =	simm.s32 $0x1B8E;
	s24 =	sld [smem:$0x3FFE];
	[sflag:s23] =	ssyncadd.s32 $0xFFFFFFFF  }
0xa6: {  	s26 =	simm.s32 $execute0_lowered;
	[smem:$0x3FD2] =	sst s25  }
0xa7: {  	s6 =	sshll.u32 s26, $0x1;
	_ =	strace $0x80000046;
	[dreg:$0x1] =	wrdreg $0xFFFFFFFF  }
0xa8: {  	s28 =	simm.s32 $_size_execute0_lowered;
	s4 =	sadd.s32 s4, s6;
	[dreg:$0x0] =	wrdreg $0x0  }
0xa9: {  	s6 =	sshll.u32 s28, $0x1;
	[dreg:$0x2] =	wrdreg s4  }
0xaa: {  	[dreg:$0x3] =	wrdreg s6  }
0xab: {  	[dreg:$0x4] =	wrdreg $0xC0  }
0xac: {  	_ =	task [dreg:s8], $0x5FFFF  }
0xad: {  	[dreg:$0x1] =	wrdreg $0xFFFFFFFF  }
0xae: {  	[dreg:$0x0] =	wrdreg $0x60  }
0xaf: {  	[dreg:$0x2] =	wrdreg s24  }
0xb0: {  	[dreg:$0x3] =	wrdreg s2  }
0xb1: {  	[dreg:$0x4] =	wrdreg s18  }
0xb2: {  	[dreg:$0x5] =	wrdreg $0x0  }
0xb3: {  	[dreg:$0x6] =	wrdreg $0x9  }
0xb4: {  	_ =	task.clear_ibuf [dreg:s8], $0x7FFFF;
	_ =	strace $0x90000046  }
0xb5: {  	s29 =	simm.s32 $0x9;
	_ =	strace $0x80000048  }
0xb6: {  	_ =	swait.ge [sflag:s29], $0x1  }
0xb7: {  	[sflag:s29] =	ssyncadd.s32 $0xFFFFFFFF  }
0xb8: {  	_ =	strace $0x90000048  }
0xb9: {  	_ =	sfence  }
0xba: {  	s30 =	sld [smem:$0x0];
	_ =	sdelay $0x2  }
0xbb: {  	s31 =	sshll.u32 s1, $0xD;
	s1 =	sshrl.u32 s1, $0x2  }
0xbc: {  	s3 =	sand.u32 $0x4000, s31;
	s1 =	sadd.s32 s1, s30  }
0xbd: {  	s0 =	sor.u32 s3, s0;
	s1 =	sshll.u32 s1, $0x11  }
0xbe: {  	s0 =	sor.u32 s1, s0  }
0xbf: {  	s0 =	sadd.s32 $0x8F2B, s0  }
0xc0: {  	[sflag:s0] =	ssyncadd.remote.s32 $0x1  }
0xc1: {  	_ =	sfence.sel $0xFFFF  }
0xc2: {  	[dreg:$0x0] =	wrdreg $0xFFFFFFFF;
	(pc) =	sbr.abs _section_cstart, $3  }
0xc3: {  	[dreg:$0x1] =	wrdreg $0xFFFFFFFF  }
0xc4: {  	_ =	task.clear_ibuf [dreg:s8], $0x2FFFF;
	_ =	strace $0x9FFFFFFF  }
0xc5: {  	(tm) =	ssettm $0x7FFFFFFF  }
tec
execute0_lowered:
.L_overlay_start_1:
0x0: {  	(tag) =	ssettag $0x1  }
0x1: {  	s0 =	rddreg [dreg:$0x0]  }
0x2: {  	s1 =	rddreg [dreg:$0x1]  }
0x3: {  	s4 =	rddreg [dreg:$0x2]  }
0x4: {  	s2 =	rddreg [dreg:$0x3]  }
0x5: {  	s3 =	simm.s32 $0x0;
	s7 =	stileid.u32;
	s26 =	srdreg.scid  }
0x6: {  	s21 =	simm.s32 $0x2020;
	s22 =	simm.s32 $0x2040;
	[smem:$0x7FF] =	sst s3  }
0x7: {  	s24 =	simm.s32 $0x2060;
	_ =	strace $0x80000047;
	[dreg:$0x18] =	wrdreg s21  }
0x8: {  	s25 =	simm.s32 $0x2080;
	s5 =	sshll.u32 s7, $0xA;
	[dreg:$0x19] =	wrdreg s22  }
0x9: {  	s23 =	sand.u32 $0x1, s26;
	s28 =	sshll.u32 s7, $0x1;
	[dreg:$0x1a] =	wrdreg s24  }
0xa: {  	s26 =	simm.s32 $0x20A0;
	s0 =	sadd.s32 s5, s0;
	[dreg:$0x1b] =	wrdreg s25  }
0xb: {  	s5 =	sor.u32 s23, s28;
	[dreg:$0x1c] =	wrdreg s26;
	s28 =	simm.s32 $0x20C0  }
0xc: {  	s29 =	sshll.u32 s7, $0x6;
	s0 =	sadd.s32 $0x1000, s0;
	[dreg:$0x1d] =	wrdreg s28  }
0xd: {  	s6 =	sshll.u32 s5, $0x6;
	[dreg:$0x5] =	wrdreg s0;
	s0 =	sor.u32 $0x1C11, s29  }
0xe: {  	s5 =	sshll.u32 s5, $0xD;
	s30 =	sadd.s32 s1, s6;
	[dreg:$0x6] =	wrdreg s0  }
0xf: {  	s9 =	sadd.s32 s4, s5;
	s29 =	simm.s32 $0x20E0;
	[dreg:$0x7] =	wrdreg s30  }
0x10: {  	s31 =	sadd.s32 $0x200, s9;
	[dreg:$0x1e] =	wrdreg s29  }
0x11: {  	s1 =	sadd.s32 $0x400, s9;
	[dreg:$0x8] =	wrdreg s31  }
0x12: {  	s4 =	sadd.s32 $0x600, s9;
	[dreg:$0x9] =	wrdreg s1  }
0x13: {  	s5 =	sadd.s32 $0x800, s9;
	[dreg:$0xa] =	wrdreg s4  }
0x14: {  	s6 =	sadd.s32 $0xA00, s9;
	[dreg:$0xb] =	wrdreg s5  }
0x15: {  	s8 =	sadd.s32 $0xC00, s9;
	[dreg:$0xc] =	wrdreg s6  }
0x16: {  	s10 =	sadd.s32 $0xE00, s9;
	[dreg:$0xd] =	wrdreg s8  }
0x17: {  	s11 =	sadd.s32 $0x1000, s9;
	[dreg:$0xe] =	wrdreg s10  }
0x18: {  	s12 =	sadd.s32 $0x1200, s9;
	[dreg:$0xf] =	wrdreg s11  }
0x19: {  	s13 =	sadd.s32 $0x1400, s9;
	[dreg:$0x10] =	wrdreg s12  }
0x1a: {  	s14 =	sadd.s32 $0x1600, s9;
	[dreg:$0x11] =	wrdreg s13  }
0x1b: {  	s15 =	sadd.s32 $0x1800, s9;
	[dreg:$0x12] =	wrdreg s14  }
0x1c: {  	s16 =	sadd.s32 $0x1A00, s9;
	[dreg:$0x13] =	wrdreg s15  }
0x1d: {  	s18 =	sadd.s32 $0x1C00, s9;
	[dreg:$0x14] =	wrdreg s16  }
0x1e: {  	s19 =	sadd.s32 $0x1E00, s9;
	[dreg:$0x15] =	wrdreg s18  }
0x1f: {  	s30 =	simm.s32 $0x2100;
	[dreg:$0x16] =	wrdreg s19  }
0x20: {  	[dreg:$0x1f] =	wrdreg s30  }
0x21: {  	s8 =	rddreg [dreg:$0x6]  }
0x22: {  	s31 =	simm.s32 $0x2120;
	s11 =	rddreg [dreg:$0x5]  }
0x23: {  	s4 =	simm.s32 $0x2160;
	[smem:$0x7F6] =	sst s31  }
0x24: {  	s5 =	simm.s32 $0x2180;
	[smem:$0x7F8] =	sst s4  }
0x25: {  	s6 =	simm.s32 $0x21A0;
	[smem:$0x7F9] =	sst s5  }
0x26: {  	s17 =	sshll.u32 s7, $0xD;
	s10 =	simm.s32 $0x21C0;
	[smem:$0x7FA] =	sst s6  }
0x27: {  	s1 =	sadd.s32 s17, s2;
	s12 =	simm.s32 $0x21E0;
	[smem:$0x7FB] =	sst s10  }
0x28: {  	s20 =	sshrl.u32 s1, $0x3;
	[smem:$0x7FC] =	sst s12  }
0x29: {  	s1 =	simm.s32 $0x2140;
	[dreg:$0x17] =	wrdreg s20  }
0x2a: {  	[smem:$0x7F7] =	sst s1  }
0x2b: {  	s7 =	rddreg [dreg:$0x17]  }
0x2c: {  	[spmem:s7], [sflag:s8] =	dma.local [hbm:s11], $0x400  }
0x2d: {  	s13 =	simm.s32 $0x2000;
	s14 =	simm.s32 $0x12;
	s0 =	rddreg [dreg:$0x7]  }
0x2e: {  	[tilespmem:s13], [sflag:$0x12] =	stream.linear.gather [hbm4b:s0+s3], $0x200, $0x38;
	[tilespmem:$0x12200] =	vst v63  }
0x2f: {  	_ =	swait.ge [sflag:s14], $0x200  }
0x30: {  	[sflag:s14] =	ssyncset.done $0x0  }
0x31: {  	s7 =	simm.s32 $0x11;
	[sflag:s14] =	ssyncadd.s32 $0xFFFFFE00  }
0x32: {  	_ =	swait.ge [sflag:s7], $0x400  }
0x33: {  	[sflag:s7] =	ssyncset.done $0x0  }
0x34: {  	[sflag:s7] =	ssyncadd.s32 $0xFFFFFC00  }
0x35: {  	[bflag:$0x0] =	sbarrier.arrive $0xFFFF  }
0x36: {  	s4 =	simm.s32 $0x2200;
	s8 =	simm.s32 $0x20;
	s15 =	rddreg [dreg:$0x18]  }
0x37: {  	[tilespmem:s4], [sflag:$0x1] =	stream.indirect.gather [spmem:s2], $0x80, s13, s8, $0xb8;
	[tilespmem:$0x12200] =	vst v63  }
0x38: {  	s5 =	simm.s32 $0x3200;
	s16 =	rddreg [dreg:$0x19]  }
0x39: {  	[tilespmem:s5], [sflag:$0x2] =	stream.indirect.gather [spmem:s2], $0x80, s15, s8, $0xb8;
	[tilespmem:$0x12200] =	vst v63  }
0x3a: {  	s10 =	simm.s32 $0x4200;
	s17 =	rddreg [dreg:$0x1a]  }
0x3b: {  	[tilespmem:s10], [sflag:$0x3] =	stream.indirect.gather [spmem:s2], $0x80, s16, s8, $0xb8;
	[tilespmem:$0x12200] =	vst v63  }
0x3c: {  	s11 =	simm.s32 $0x5200;
	s18 =	rddreg [dreg:$0x1b]  }
0x3d: {  	[tilespmem:s11], [sflag:$0x4] =	stream.indirect.gather [spmem:s2], $0x80, s17, s8, $0xb8;
	[tilespmem:$0x12200] =	vst v63  }
0x3e: {  	s12 =	simm.s32 $0x6200;
	s19 =	rddreg [dreg:$0x1c]  }
0x3f: {  	[tilespmem:s12], [sflag:$0x5] =	stream.indirect.gather [spmem:s2], $0x80, s18, s8, $0xb8;
	[tilespmem:$0x12200] =	vst v63  }
0x40: {  	s13 =	simm.s32 $0x7200;
	s20 =	rddreg [dreg:$0x1d]  }
0x41: {  	[tilespmem:s13], [sflag:$0x6] =	stream.indirect.gather [spmem:s2], $0x80, s19, s8, $0xb8;
	[tilespmem:$0x12200] =	vst v63  }
0x42: {  	s14 =	simm.s32 $0x8200;
	s21 =	rddreg [dreg:$0x1e]  }
0x43: {  	[tilespmem:s14], [sflag:$0x7] =	stream.indirect.gather [spmem:s2], $0x80, s20, s8, $0xb8;
	[tilespmem:$0x12200] =	vst v63  }
0x44: {  	s6 =	simm.s32 $0x9200;
	s22 =	rddreg [dreg:$0x1f]  }
0x45: {  	[tilespmem:s6], [sflag:$0x8] =	stream.indirect.gather [spmem:s2], $0x80, s21, s8, $0xb8;
	[tilespmem:$0x12200] =	vst v63  }
0x46: {  	s24 =	sld [smem:$0x7F6];
	s15 =	simm.s32 $0xA200  }
0x47: {  	[tilespmem:s15], [sflag:$0x9] =	stream.indirect.gather [spmem:s2], $0x80, s22, s8, $0xb8;
	[tilespmem:$0x12200] =	vst v63  }
0x48: {  	s25 =	sld [smem:$0x7F7];
	s16 =	simm.s32 $0xB200  }
0x49: {  	[tilespmem:s16], [sflag:$0xA] =	stream.indirect.gather [spmem:s2], $0x80, s24, s8, $0xb8;
	[tilespmem:$0x12200] =	vst v63  }
0x4a: {  	s26 =	sld [smem:$0x7F8];
	s17 =	simm.s32 $0xC200  }
0x4b: {  	[tilespmem:s17], [sflag:$0xB] =	stream.indirect.gather [spmem:s2], $0x80, s25, s8, $0xb8;
	[tilespmem:$0x12200] =	vst v63  }
0x4c: {  	s28 =	sld [smem:$0x7F9];
	s18 =	simm.s32 $0xD200  }
0x4d: {  	[tilespmem:s18], [sflag:$0xC] =	stream.indirect.gather [spmem:s2], $0x80, s26, s8, $0xb8;
	[tilespmem:$0x12200] =	vst v63  }
0x4e: {  	s29 =	sld [smem:$0x7FA];
	s19 =	simm.s32 $0xE200  }
0x4f: {  	[tilespmem:s19], [sflag:$0xD] =	stream.indirect.gather [spmem:s2], $0x80, s28, s8, $0xb8;
	[tilespmem:$0x12200] =	vst v63  }
0x50: {  	s30 =	sld [smem:$0x7FB];
	s20 =	simm.s32 $0xF200  }
0x51: {  	[tilespmem:s20], [sflag:$0xE] =	stream.indirect.gather [spmem:s2], $0x80, s29, s8, $0xb8;
	[tilespmem:$0x12200] =	vst v63  }
0x52: {  	s31 =	sld [smem:$0x7FC];
	s21 =	simm.s32 $0x10200  }
0x53: {  	[tilespmem:s21], [sflag:$0xF] =	stream.indirect.gather [spmem:s2], $0x80, s30, s8, $0xb8;
	[tilespmem:$0x12200] =	vst v63  }
0x54: {  	s22 =	simm.s32 $0x11200;
	s24 =	simm.s32 $0x1  }
0x55: {  	[tilespmem:s22], [sflag:$0x10] =	stream.indirect.gather [spmem:s2], $0x80, s31, s8, $0xb8;
	[tilespmem:$0x12200] =	vst v63  }
0x56: {  	_ =	swait.ge [sflag:s24], $0x1000  }
0x57: {  	[sflag:s24] =	ssyncset.done $0x0  }
0x58: {  	s25 =	simm.s32 $0x2;
	[smem:$0x7FD] =	sst s9;
	[sflag:s24] =	ssyncadd.s32 $0xFFFFF000  }
0x59: {  	[hbm4b:s9+s3] =	stream.linear.scatter [tilespmem:s4], [sflag:$0x11], $0x1000, $0x38;
	[tilespmem:$0x12200] =	vst v63  }
0x5a: {  	_ =	swait.ge [sflag:s25], $0x1000  }
0x5b: {  	[sflag:s25] =	ssyncset.done $0x0  }
0x5c: {  	s28 =	simm.s32 $0x3;
	s26 =	rddreg [dreg:$0x8];
	[sflag:s25] =	ssyncadd.s32 $0xFFFFF000  }
0x5d: {  	[hbm4b:s26+s3] =	stream.linear.scatter [tilespmem:s5], [sflag:$0x11], $0x1000, $0x38;
	[tilespmem:$0x12200] =	vst v63  }
0x5e: {  	_ =	swait.ge [sflag:s28], $0x1000  }
0x5f: {  	[sflag:s28] =	ssyncset.done $0x0  }
0x60: {  	s30 =	simm.s32 $0x4;
	s29 =	rddreg [dreg:$0x9];
	[sflag:s28] =	ssyncadd.s32 $0xFFFFF000  }
0x61: {  	[hbm4b:s29+s3] =	stream.linear.scatter [tilespmem:s10], [sflag:$0x11], $0x1000, $0x38;
	[tilespmem:$0x12200] =	vst v63  }
0x62: {  	_ =	swait.ge [sflag:s30], $0x1000  }
0x63: {  	[sflag:s30] =	ssyncset.done $0x0  }
0x64: {  	s4 =	simm.s32 $0x5;
	s31 =	rddreg [dreg:$0xa];
	[sflag:s30] =	ssyncadd.s32 $0xFFFFF000  }
0x65: {  	[hbm4b:s31+s3] =	stream.linear.scatter [tilespmem:s11], [sflag:$0x11], $0x1000, $0x38;
	[tilespmem:$0x12200] =	vst v63  }
0x66: {  	_ =	swait.ge [sflag:s4], $0x1000  }
0x67: {  	[sflag:s4] =	ssyncset.done $0x0  }
0x68: {  	s9 =	simm.s32 $0x6;
	s5 =	rddreg [dreg:$0xb];
	[sflag:s4] =	ssyncadd.s32 $0xFFFFF000  }
0x69: {  	[hbm4b:s5+s3] =	stream.linear.scatter [tilespmem:s12], [sflag:$0x11], $0x1000, $0x38;
	[tilespmem:$0x12200] =	vst v63  }
0x6a: {  	_ =	swait.ge [sflag:s9], $0x1000  }
0x6b: {  	[sflag:s9] =	ssyncset.done $0x0  }
0x6c: {  	s11 =	simm.s32 $0x7;
	s10 =	rddreg [dreg:$0xc];
	[sflag:s9] =	ssyncadd.s32 $0xFFFFF000  }
0x6d: {  	[hbm4b:s10+s3] =	stream.linear.scatter [tilespmem:s13], [sflag:$0x11], $0x1000, $0x38;
	[tilespmem:$0x12200] =	vst v63  }
0x6e: {  	_ =	swait.ge [sflag:s11], $0x1000  }
0x6f: {  	[sflag:s11] =	ssyncset.done $0x0  }
0x70: {  	s1 =	simm.s32 $0x8;
	s12 =	rddreg [dreg:$0xd];
	[sflag:s11] =	ssyncadd.s32 $0xFFFFF000  }
0x71: {  	[hbm4b:s12+s3] =	stream.linear.scatter [tilespmem:s14], [sflag:$0x11], $0x1000, $0x38;
	[tilespmem:$0x12200] =	vst v63  }
0x72: {  	_ =	swait.ge [sflag:s1], $0x1000  }
0x73: {  	[sflag:s1] =	ssyncset.done $0x0  }
0x74: {  	s4 =	simm.s32 $0x9;
	s13 =	rddreg [dreg:$0xe];
	[sflag:s1] =	ssyncadd.s32 $0xFFFFF000  }
0x75: {  	[hbm4b:s13+s3] =	stream.linear.scatter [tilespmem:s6], [sflag:$0x11], $0x1000, $0x38;
	[tilespmem:$0x12200] =	vst v63  }
0x76: {  	_ =	swait.ge [sflag:s4], $0x1000  }
0x77: {  	[sflag:s4] =	ssyncset.done $0x0  }
0x78: {  	s5 =	simm.s32 $0xA;
	s14 =	rddreg [dreg:$0xf];
	[sflag:s4] =	ssyncadd.s32 $0xFFFFF000  }
0x79: {  	[hbm4b:s14+s3] =	stream.linear.scatter [tilespmem:s15], [sflag:$0x11], $0x1000, $0x38;
	[tilespmem:$0x12200] =	vst v63  }
0x7a: {  	_ =	swait.ge [sflag:s5], $0x1000  }
0x7b: {  	[sflag:s5] =	ssyncset.done $0x0  }
0x7c: {  	s9 =	simm.s32 $0xB;
	s15 =	rddreg [dreg:$0x10];
	[sflag:s5] =	ssyncadd.s32 $0xFFFFF000  }
0x7d: {  	[hbm4b:s15+s3] =	stream.linear.scatter [tilespmem:s16], [sflag:$0x11], $0x1000, $0x38;
	[tilespmem:$0x12200] =	vst v63  }
0x7e: {  	_ =	swait.ge [sflag:s9], $0x1000  }
0x7f: {  	[sflag:s9] =	ssyncset.done $0x0  }
0x80: {  	s10 =	simm.s32 $0xC;
	s16 =	rddreg [dreg:$0x11];
	[sflag:s9] =	ssyncadd.s32 $0xFFFFF000  }
0x81: {  	[hbm4b:s16+s3] =	stream.linear.scatter [tilespmem:s17], [sflag:$0x11], $0x1000, $0x38;
	[tilespmem:$0x12200] =	vst v63  }
0x82: {  	_ =	swait.ge [sflag:s10], $0x1000  }
0x83: {  	[sflag:s10] =	ssyncset.done $0x0  }
0x84: {  	s11 =	simm.s32 $0xD;
	s24 =	rddreg [dreg:$0x12];
	[sflag:s10] =	ssyncadd.s32 $0xFFFFF000  }
0x85: {  	[hbm4b:s24+s3] =	stream.linear.scatter [tilespmem:s18], [sflag:$0x11], $0x1000, $0x38;
	[tilespmem:$0x12200] =	vst v63  }
0x86: {  	_ =	swait.ge [sflag:s11], $0x1000  }
0x87: {  	[sflag:s11] =	ssyncset.done $0x0  }
0x88: {  	s12 =	simm.s32 $0xE;
	s25 =	rddreg [dreg:$0x13];
	[sflag:s11] =	ssyncadd.s32 $0xFFFFF000  }
0x89: {  	[hbm4b:s25+s3] =	stream.linear.scatter [tilespmem:s19], [sflag:$0x11], $0x1000, $0x38;
	[tilespmem:$0x12200] =	vst v63  }
0x8a: {  	_ =	swait.ge [sflag:s12], $0x1000  }
0x8b: {  	[sflag:s12] =	ssyncset.done $0x0  }
0x8c: {  	s13 =	simm.s32 $0xF;
	s26 =	rddreg [dreg:$0x14];
	[sflag:s12] =	ssyncadd.s32 $0xFFFFF000  }
0x8d: {  	[hbm4b:s26+s3] =	stream.linear.scatter [tilespmem:s20], [sflag:$0x11], $0x1000, $0x38;
	[tilespmem:$0x12200] =	vst v63  }
0x8e: {  	_ =	swait.ge [sflag:s13], $0x1000  }
0x8f: {  	[sflag:s13] =	ssyncset.done $0x0  }
0x90: {  	s14 =	simm.s32 $0x10;
	s28 =	rddreg [dreg:$0x15];
	[sflag:s13] =	ssyncadd.s32 $0xFFFFF000  }
0x91: {  	[hbm4b:s28+s3] =	stream.linear.scatter [tilespmem:s21], [sflag:$0x11], $0x1000, $0x38;
	[tilespmem:$0x12200] =	vst v63  }
0x92: {  	_ =	swait.ge [sflag:s14], $0x1000  }
0x93: {  	[sflag:s14] =	ssyncset.done $0x0  }
0x94: {  	s29 =	rddreg [dreg:$0x16];
	[sflag:s14] =	ssyncadd.s32 $0xFFFFF000  }
0x95: {  	[hbm4b:s29+s3] =	stream.linear.scatter [tilespmem:s22], [sflag:$0x11], $0x1000, $0x38;
	[tilespmem:$0x12200] =	vst v63  }
0x96: {  	_ =	swait.ge [sflag:s7], $0x1000  }
0x97: {  	[sflag:s7] =	ssyncset.done $0x0  }
0x98: {  	[sflag:s7] =	ssyncadd.s32 $0xFFFFF000  }
0x99: {  	_ =	swait.ge [sflag:s7], $0x1000  }
0x9a: {  	[sflag:s7] =	ssyncset.done $0x0  }
0x9b: {  	[sflag:s7] =	ssyncadd.s32 $0xFFFFF000  }
0x9c: {  	_ =	swait.ge [sflag:s7], $0x1000  }
0x9d: {  	[sflag:s7] =	ssyncset.done $0x0  }
0x9e: {  	[sflag:s7] =	ssyncadd.s32 $0xFFFFF000  }
0x9f: {  	_ =	swait.ge [sflag:s7], $0x1000  }
0xa0: {  	[sflag:s7] =	ssyncset.done $0x0  }
0xa1: {  	[sflag:s7] =	ssyncadd.s32 $0xFFFFF000  }
0xa2: {  	_ =	swait.ge [sflag:s7], $0x1000  }
0xa3: {  	[sflag:s7] =	ssyncset.done $0x0  }
0xa4: {  	[sflag:s7] =	ssyncadd.s32 $0xFFFFF000  }
0xa5: {  	_ =	swait.ge [sflag:s7], $0x1000  }
0xa6: {  	[sflag:s7] =	ssyncset.done $0x0  }
0xa7: {  	[sflag:s7] =	ssyncadd.s32 $0xFFFFF000  }
0xa8: {  	_ =	swait.ge [sflag:s7], $0x1000  }
0xa9: {  	[sflag:s7] =	ssyncset.done $0x0  }
0xaa: {  	[sflag:s7] =	ssyncadd.s32 $0xFFFFF000  }
0xab: {  	_ =	swait.ge [sflag:s7], $0x1000  }
0xac: {  	[sflag:s7] =	ssyncset.done $0x0  }
0xad: {  	[sflag:s7] =	ssyncadd.s32 $0xFFFFF000  }
0xae: {  	_ =	swait.ge [sflag:s7], $0x1000  }
0xaf: {  	[sflag:s7] =	ssyncset.done $0x0  }
0xb0: {  	[sflag:s7] =	ssyncadd.s32 $0xFFFFF000  }
0xb1: {  	_ =	swait.ge [sflag:s7], $0x1000  }
0xb2: {  	[sflag:s7] =	ssyncset.done $0x0  }
0xb3: {  	[sflag:s7] =	ssyncadd.s32 $0xFFFFF000  }
0xb4: {  	_ =	swait.ge [sflag:s7], $0x1000  }
0xb5: {  	[sflag:s7] =	ssyncset.done $0x0  }
0xb6: {  	[sflag:s7] =	ssyncadd.s32 $0xFFFFF000  }
0xb7: {  	_ =	swait.ge [sflag:s7], $0x1000  }
0xb8: {  	[sflag:s7] =	ssyncset.done $0x0  }
0xb9: {  	s30 =	ssub.s32 $0x2, s23;
	[sflag:s7] =	ssyncadd.s32 $0xFFFFF000  }
0xba: {  	s31 =	sshrl.u32 s30, $0x1;
	_ =	swait.ge [sflag:s7], $0x1000  }
0xbb: {  	s15 =	ssub.s32 s30, s31;
	[sflag:s7] =	ssyncset.done $0x0  }
0xbc: {  	s15 =	smax.u32 s15, $0x1;
	[sflag:s7] =	ssyncadd.s32 $0xFFFFF000  }
0xbd: {  	p0 =	sne.s32 s15, $0x1;
	_ =	swait.ge [sflag:s7], $0x1000  }
.Ltmp0:
0xbe: {  	[sflag:s7] =	ssyncset.done $0x0;
	(pc) =	sbr.rel @!p0 .LBB2_3-.Ltmp0, $4  }
0xbf: {  	[sflag:s7] =	ssyncadd.s32 $0xFFFFF000  }
0xc0: {  	_ =	swait.ge [sflag:s7], $0x1000  }
0xc1: {  	[sflag:s7] =	ssyncset.done $0x0  }
0xc2: {  	s15 =	sadd.s32 $0xFFFFFFFF, s15;
	[sflag:s7] =	ssyncadd.s32 $0xFFFFF000  }
0xc3: {  	s20 =	simm.s32 $0x3200  }
0xc4: {  	s21 =	simm.s32 $0x4200;
	s22 =	simm.s32 $0x5200;
	s23 =	simm.s32 $0x6200  }
0xc5: {  	s24 =	simm.s32 $0x7200;
	s19 =	simm.s32 $0x8200;
	s25 =	simm.s32 $0xA200  }
0xc6: {  	s26 =	simm.s32 $0xB200;
	s28 =	simm.s32 $0xC200;
	s29 =	simm.s32 $0xD200  }
0xc7: {  	s30 =	simm.s32 $0xE200;
	s31 =	simm.s32 $0xF200;
	s0 =	simm.s32 $0x10200  }
.LBB2_2:
0xc8: {  	_ =	swait.ge [sflag:s7], $0x1000  }
0xc9: {  	s16 =	rddreg [dreg:$0x17]  }
0xca: {  	[sflag:s7] =	ssyncset.done $0x0;
	s17 =	rddreg [dreg:$0x6]  }
0xcb: {  	s18 =	rddreg [dreg:$0x5];
	[sflag:s7] =	ssyncadd.s32 $0xFFFFF000  }
0xcc: {  	[spmem:s16], [sflag:s17] =	dma.local [hbm:s18], $0x400  }
0xcd: {  	s6 =	simm.s32 $0x12;
	s17 =	simm.s32 $0x2000;
	s16 =	rddreg [dreg:$0x7]  }
0xce: {  	[tilespmem:s17], [sflag:$0x12] =	stream.linear.gather [hbm4b:s16+s3], $0x200, $0x38;
	[tilespmem:$0x12200] =	vst v63  }
0xcf: {  	_ =	swait.ge [sflag:s6], $0x200  }
0xd0: {  	[sflag:s6] =	ssyncset.done $0x0  }
0xd1: {  	[sflag:s6] =	ssyncadd.s32 $0xFFFFFE00  }
0xd2: {  	_ =	swait.ge [sflag:s7], $0x400  }
0xd3: {  	[sflag:s7] =	ssyncset.done $0x0  }
0xd4: {  	[sflag:s7] =	ssyncadd.s32 $0xFFFFFC00  }
0xd5: {  	[bflag:$0x0] =	sbarrier.arrive $0xFFFF  }
0xd6: {  	s18 =	simm.s32 $0x2200;
	s16 =	rddreg [dreg:$0x18]  }
0xd7: {  	[tilespmem:s18], [sflag:$0x1] =	stream.indirect.gather [spmem:s2], $0x80, s17, s8, $0xb8;
	[tilespmem:$0x12200] =	vst v63  }
0xd8: {  	s6 =	rddreg [dreg:$0x19]  }
0xd9: {  	[tilespmem:s20], [sflag:$0x2] =	stream.indirect.gather [spmem:s2], $0x80, s16, s8, $0xb8;
	[tilespmem:$0x12200] =	vst v63  }
0xda: {  	s17 =	rddreg [dreg:$0x1f]  }
0xdb: {  	[tilespmem:s21], [sflag:$0x3] =	stream.indirect.gather [spmem:s2], $0x80, s6, s8, $0xb8;
	[tilespmem:$0x12200] =	vst v63  }
0xdc: {  	s16 =	rddreg [dreg:$0x1a]  }
0xdd: {  	[tilespmem:s22], [sflag:$0x4] =	stream.indirect.gather [spmem:s2], $0x80, s16, s8, $0xb8;
	[tilespmem:$0x12200] =	vst v63  }
0xde: {  	s6 =	rddreg [dreg:$0x1b]  }
0xdf: {  	[tilespmem:s23], [sflag:$0x5] =	stream.indirect.gather [spmem:s2], $0x80, s6, s8, $0xb8;
	[tilespmem:$0x12200] =	vst v63  }
0xe0: {  	s16 =	rddreg [dreg:$0x1c]  }
0xe1: {  	[tilespmem:s24], [sflag:$0x6] =	stream.indirect.gather [spmem:s2], $0x80, s16, s8, $0xb8;
	[tilespmem:$0x12200] =	vst v63  }
0xe2: {  	s6 =	rddreg [dreg:$0x1d]  }
0xe3: {  	[tilespmem:s19], [sflag:$0x7] =	stream.indirect.gather [spmem:s2], $0x80, s6, s8, $0xb8;
	[tilespmem:$0x12200] =	vst v63  }
0xe4: {  	s16 =	rddreg [dreg:$0x1e];
	s6 =	simm.s32 $0x9200  }
0xe5: {  	[tilespmem:s6], [sflag:$0x8] =	stream.indirect.gather [spmem:s2], $0x80, s16, s8, $0xb8;
	[tilespmem:$0x12200] =	vst v63  }
0xe6: {  	s16 =	sld [smem:$0x7F6]  }
0xe7: {  	[tilespmem:s25], [sflag:$0x9] =	stream.indirect.gather [spmem:s2], $0x80, s17, s8, $0xb8;
	[tilespmem:$0x12200] =	vst v63  }
0xe8: {  	s17 =	sld [smem:$0x7F7]  }
0xe9: {  	[tilespmem:s26], [sflag:$0xA] =	stream.indirect.gather [spmem:s2], $0x80, s16, s8, $0xb8;
	[tilespmem:$0x12200] =	vst v63  }
0xea: {  	s16 =	sld [smem:$0x7F8]  }
0xeb: {  	[tilespmem:s28], [sflag:$0xB] =	stream.indirect.gather [spmem:s2], $0x80, s17, s8, $0xb8;
	[tilespmem:$0x12200] =	vst v63  }
0xec: {  	s17 =	sld [smem:$0x7F9]  }
0xed: {  	[tilespmem:s29], [sflag:$0xC] =	stream.indirect.gather [spmem:s2], $0x80, s16, s8, $0xb8;
	[tilespmem:$0x12200] =	vst v63  }
0xee: {  	s16 =	sld [smem:$0x7FA]  }
0xef: {  	[tilespmem:s30], [sflag:$0xD] =	stream.indirect.gather [spmem:s2], $0x80, s17, s8, $0xb8;
	[tilespmem:$0x12200] =	vst v63  }
0xf0: {  	s17 =	sld [smem:$0x7FB]  }
0xf1: {  	[tilespmem:s31], [sflag:$0xE] =	stream.indirect.gather [spmem:s2], $0x80, s16, s8, $0xb8;
	[tilespmem:$0x12200] =	vst v63  }
0xf2: {  	s16 =	sld [smem:$0x7FC]  }
0xf3: {  	[tilespmem:s0], [sflag:$0xF] =	stream.indirect.gather [spmem:s2], $0x80, s17, s8, $0xb8;
	[tilespmem:$0x12200] =	vst v63  }
0xf4: {  	s17 =	simm.s32 $0x11200  }
0xf5: {  	[tilespmem:s17], [sflag:$0x10] =	stream.indirect.gather [spmem:s2], $0x80, s16, s8, $0xb8;
	[tilespmem:$0x12200] =	vst v63  }
0xf6: {  	s16 =	simm.s32 $0x1  }
0xf7: {  	_ =	swait.ge [sflag:s16], $0x1000  }
0xf8: {  	[sflag:s16] =	ssyncset.done $0x0  }
0xf9: {  	[sflag:s16] =	ssyncadd.s32 $0xFFFFF000;
	s16 =	sld [smem:$0x7FD];
	_ =	sdelay $0x2  }
0xfa: {  	[hbm4b:s16+s3] =	stream.linear.scatter [tilespmem:s18], [sflag:$0x11], $0x1000, $0x38;
	[tilespmem:$0x12200] =	vst v63  }
0xfb: {  	s18 =	simm.s32 $0x2  }
0xfc: {  	_ =	swait.ge [sflag:s18], $0x1000  }
0xfd: {  	[sflag:s18] =	ssyncset.done $0x0  }
0xfe: {  	s16 =	rddreg [dreg:$0x8];
	[sflag:s18] =	ssyncadd.s32 $0xFFFFF000;
	s18 =	simm.s32 $0x3  }
0xff: {  	[hbm4b:s16+s3] =	stream.linear.scatter [tilespmem:s20], [sflag:$0x11], $0x1000, $0x38;
	[tilespmem:$0x12200] =	vst v63  }
0x100: {  	_ =	swait.ge [sflag:s18], $0x1000  }
0x101: {  	[sflag:s18] =	ssyncset.done $0x0  }
0x102: {  	s16 =	rddreg [dreg:$0x9];
	[sflag:s18] =	ssyncadd.s32 $0xFFFFF000;
	s18 =	simm.s32 $0x4  }
0x103: {  	[hbm4b:s16+s3] =	stream.linear.scatter [tilespmem:s21], [sflag:$0x11], $0x1000, $0x38;
	[tilespmem:$0x12200] =	vst v63  }
0x104: {  	_ =	swait.ge [sflag:s18], $0x1000  }
0x105: {  	[sflag:s18] =	ssyncset.done $0x0  }
0x106: {  	s16 =	rddreg [dreg:$0xa];
	[sflag:s18] =	ssyncadd.s32 $0xFFFFF000;
	s18 =	simm.s32 $0x5  }
0x107: {  	[hbm4b:s16+s3] =	stream.linear.scatter [tilespmem:s22], [sflag:$0x11], $0x1000, $0x38;
	[tilespmem:$0x12200] =	vst v63  }
0x108: {  	_ =	swait.ge [sflag:s18], $0x1000  }
0x109: {  	[sflag:s18] =	ssyncset.done $0x0  }
0x10a: {  	s16 =	rddreg [dreg:$0xb];
	[sflag:s18] =	ssyncadd.s32 $0xFFFFF000;
	s18 =	simm.s32 $0x6  }
0x10b: {  	[hbm4b:s16+s3] =	stream.linear.scatter [tilespmem:s23], [sflag:$0x11], $0x1000, $0x38;
	[tilespmem:$0x12200] =	vst v63  }
0x10c: {  	_ =	swait.ge [sflag:s18], $0x1000  }
0x10d: {  	[sflag:s18] =	ssyncset.done $0x0  }
0x10e: {  	s16 =	rddreg [dreg:$0xc];
	[sflag:s18] =	ssyncadd.s32 $0xFFFFF000;
	s18 =	simm.s32 $0x7  }
0x10f: {  	[hbm4b:s16+s3] =	stream.linear.scatter [tilespmem:s24], [sflag:$0x11], $0x1000, $0x38;
	[tilespmem:$0x12200] =	vst v63  }
0x110: {  	_ =	swait.ge [sflag:s18], $0x1000  }
0x111: {  	[sflag:s18] =	ssyncset.done $0x0  }
0x112: {  	s16 =	rddreg [dreg:$0xd];
	[sflag:s18] =	ssyncadd.s32 $0xFFFFF000  }
0x113: {  	[hbm4b:s16+s3] =	stream.linear.scatter [tilespmem:s19], [sflag:$0x11], $0x1000, $0x38;
	[tilespmem:$0x12200] =	vst v63  }
0x114: {  	_ =	swait.ge [sflag:s1], $0x1000  }
0x115: {  	[sflag:s1] =	ssyncset.done $0x0  }
0x116: {  	s18 =	rddreg [dreg:$0xe];
	[sflag:s1] =	ssyncadd.s32 $0xFFFFF000  }
0x117: {  	[hbm4b:s18+s3] =	stream.linear.scatter [tilespmem:s6], [sflag:$0x11], $0x1000, $0x38;
	[tilespmem:$0x12200] =	vst v63  }
0x118: {  	_ =	swait.ge [sflag:s4], $0x1000  }
0x119: {  	[sflag:s4] =	ssyncset.done $0x0  }
0x11a: {  	s6 =	rddreg [dreg:$0xf];
	[sflag:s4] =	ssyncadd.s32 $0xFFFFF000  }
0x11b: {  	[hbm4b:s6+s3] =	stream.linear.scatter [tilespmem:s25], [sflag:$0x11], $0x1000, $0x38;
	[tilespmem:$0x12200] =	vst v63  }
0x11c: {  	_ =	swait.ge [sflag:s5], $0x1000  }
0x11d: {  	[sflag:s5] =	ssyncset.done $0x0  }
0x11e: {  	s18 =	rddreg [dreg:$0x10];
	[sflag:s5] =	ssyncadd.s32 $0xFFFFF000  }
0x11f: {  	[hbm4b:s18+s3] =	stream.linear.scatter [tilespmem:s26], [sflag:$0x11], $0x1000, $0x38;
	[tilespmem:$0x12200] =	vst v63  }
0x120: {  	_ =	swait.ge [sflag:s9], $0x1000  }
0x121: {  	[sflag:s9] =	ssyncset.done $0x0  }
0x122: {  	s6 =	rddreg [dreg:$0x11];
	[sflag:s9] =	ssyncadd.s32 $0xFFFFF000  }
0x123: {  	[hbm4b:s6+s3] =	stream.linear.scatter [tilespmem:s28], [sflag:$0x11], $0x1000, $0x38;
	[tilespmem:$0x12200] =	vst v63  }
0x124: {  	_ =	swait.ge [sflag:s10], $0x1000  }
0x125: {  	[sflag:s10] =	ssyncset.done $0x0  }
0x126: {  	s18 =	rddreg [dreg:$0x12];
	[sflag:s10] =	ssyncadd.s32 $0xFFFFF000  }
0x127: {  	[hbm4b:s18+s3] =	stream.linear.scatter [tilespmem:s29], [sflag:$0x11], $0x1000, $0x38;
	[tilespmem:$0x12200] =	vst v63  }
0x128: {  	_ =	swait.ge [sflag:s11], $0x1000  }
0x129: {  	[sflag:s11] =	ssyncset.done $0x0  }
0x12a: {  	s6 =	rddreg [dreg:$0x13];
	[sflag:s11] =	ssyncadd.s32 $0xFFFFF000  }
0x12b: {  	[hbm4b:s6+s3] =	stream.linear.scatter [tilespmem:s30], [sflag:$0x11], $0x1000, $0x38;
	[tilespmem:$0x12200] =	vst v63  }
0x12c: {  	_ =	swait.ge [sflag:s12], $0x1000  }
0x12d: {  	[sflag:s12] =	ssyncset.done $0x0  }
0x12e: {  	s18 =	rddreg [dreg:$0x14];
	[sflag:s12] =	ssyncadd.s32 $0xFFFFF000  }
0x12f: {  	[hbm4b:s18+s3] =	stream.linear.scatter [tilespmem:s31], [sflag:$0x11], $0x1000, $0x38;
	[tilespmem:$0x12200] =	vst v63  }
0x130: {  	_ =	swait.ge [sflag:s13], $0x1000  }
0x131: {  	[sflag:s13] =	ssyncset.done $0x0  }
0x132: {  	s6 =	rddreg [dreg:$0x15];
	[sflag:s13] =	ssyncadd.s32 $0xFFFFF000  }
0x133: {  	[hbm4b:s6+s3] =	stream.linear.scatter [tilespmem:s0], [sflag:$0x11], $0x1000, $0x38;
	[tilespmem:$0x12200] =	vst v63  }
0x134: {  	_ =	swait.ge [sflag:s14], $0x1000  }
0x135: {  	[sflag:s14] =	ssyncset.done $0x0  }
0x136: {  	s18 =	rddreg [dreg:$0x16];
	[sflag:s14] =	ssyncadd.s32 $0xFFFFF000  }
0x137: {  	[hbm4b:s18+s3] =	stream.linear.scatter [tilespmem:s17], [sflag:$0x11], $0x1000, $0x38;
	[tilespmem:$0x12200] =	vst v63  }
0x138: {  	_ =	swait.ge [sflag:s7], $0x1000  }
0x139: {  	[sflag:s7] =	ssyncset.done $0x0  }
0x13a: {  	[sflag:s7] =	ssyncadd.s32 $0xFFFFF000  }
0x13b: {  	_ =	swait.ge [sflag:s7], $0x1000  }
0x13c: {  	[sflag:s7] =	ssyncset.done $0x0  }
0x13d: {  	[sflag:s7] =	ssyncadd.s32 $0xFFFFF000  }
0x13e: {  	_ =	swait.ge [sflag:s7], $0x1000  }
0x13f: {  	[sflag:s7] =	ssyncset.done $0x0  }
0x140: {  	[sflag:s7] =	ssyncadd.s32 $0xFFFFF000  }
0x141: {  	_ =	swait.ge [sflag:s7], $0x1000  }
0x142: {  	[sflag:s7] =	ssyncset.done $0x0  }
0x143: {  	[sflag:s7] =	ssyncadd.s32 $0xFFFFF000  }
0x144: {  	_ =	swait.ge [sflag:s7], $0x1000  }
0x145: {  	[sflag:s7] =	ssyncset.done $0x0  }
0x146: {  	[sflag:s7] =	ssyncadd.s32 $0xFFFFF000  }
0x147: {  	_ =	swait.ge [sflag:s7], $0x1000  }
0x148: {  	[sflag:s7] =	ssyncset.done $0x0  }
0x149: {  	[sflag:s7] =	ssyncadd.s32 $0xFFFFF000  }
0x14a: {  	_ =	swait.ge [sflag:s7], $0x1000  }
0x14b: {  	[sflag:s7] =	ssyncset.done $0x0  }
0x14c: {  	[sflag:s7] =	ssyncadd.s32 $0xFFFFF000  }
0x14d: {  	_ =	swait.ge [sflag:s7], $0x1000  }
0x14e: {  	[sflag:s7] =	ssyncset.done $0x0  }
0x14f: {  	[sflag:s7] =	ssyncadd.s32 $0xFFFFF000  }
0x150: {  	_ =	swait.ge [sflag:s7], $0x1000  }
0x151: {  	[sflag:s7] =	ssyncset.done $0x0  }
0x152: {  	[sflag:s7] =	ssyncadd.s32 $0xFFFFF000  }
0x153: {  	_ =	swait.ge [sflag:s7], $0x1000  }
0x154: {  	[sflag:s7] =	ssyncset.done $0x0  }
0x155: {  	[sflag:s7] =	ssyncadd.s32 $0xFFFFF000  }
0x156: {  	_ =	swait.ge [sflag:s7], $0x1000  }
0x157: {  	[sflag:s7] =	ssyncset.done $0x0  }
0x158: {  	[sflag:s7] =	ssyncadd.s32 $0xFFFFF000  }
0x159: {  	_ =	swait.ge [sflag:s7], $0x1000  }
0x15a: {  	[sflag:s7] =	ssyncset.done $0x0  }
0x15b: {  	[sflag:s7] =	ssyncadd.s32 $0xFFFFF000  }
0x15c: {  	_ =	swait.ge [sflag:s7], $0x1000  }
0x15d: {  	[sflag:s7] =	ssyncset.done $0x0  }
0x15e: {  	[sflag:s7] =	ssyncadd.s32 $0xFFFFF000  }
0x15f: {  	p0 =	sne.s32 s15, $0x1;
	_ =	swait.ge [sflag:s7], $0x1000  }
.Ltmp1:
0x160: {  	[sflag:s7] =	ssyncset.done $0x0;
	(pc) =	sbr.rel @p0 .LBB2_2-.Ltmp1, $4  }
0x161: {  	[sflag:s7] =	ssyncadd.s32 $0xFFFFF000  }
0x162: {  	_ =	swait.ge [sflag:s7], $0x1000  }
0x163: {  	[sflag:s7] =	ssyncset.done $0x0  }
0x164: {  	s15 =	sadd.s32 $0xFFFFFFFF, s15;
	[sflag:s7] =	ssyncadd.s32 $0xFFFFF000  }
.LBB2_3:
0x165: {  	_ =	swait.ge [sflag:s7], $0x1000  }
0x166: {  	[sflag:s7] =	ssyncset.done $0x0  }
0x167: {  	[sflag:s7] =	ssyncadd.s32 $0xFFFFF000  }
0x168: {  	_ =	sfence.sel $0x180000  }
0x169: {  	[bflag:$0x0] =	sbarrier.arrive $0xFFFF  }
0x16a: {  	_ =	strace $0x90000047  }
0x16b: {  	s0 =	stileid.u32;
	[bflag:$0x2] =	sbarrier.arrive $0xFFFF  }
0x16c: {  	p0 =	sne.s32 s0, $0x0;
	s0 =	rddreg [dreg:$0x4]  }
0x16d: {  	s0 =	sadd.s32 @!p0 $0x100000, s0  }
0x16e: {  	[sflag:s0] =	ssyncadd.tile.s32 @!p0 $0x1;
	_ =	shalt  }
.Lfunc_end2:
_tile_overlayer_lowered:
.L_overlay_start_2:
0x16f: {  	(tag) =	ssettag $0x2  }
0x170: {  	s0 =	rddreg [dreg:$0x0];
	s2 =	stileid.u32  }
0x171: {  	s1 =	rddreg [dreg:$0x1];
	p0 =	sne.s32 s2, $0x0  }
0x172: {  	s3 =	rddreg [dreg:$0x2];
	[bflag:$0x3] =	sbarrier.arrive $0xFFFF;
	s2 =	simm.s32 @!p0 $0x1C12  }
0x173: {  	[timem:s3], [sflag:s2] =	dma.local @!p0 [hbm:s0], s1  }
0x174: {  	s0 =	simm.s32 @!p0 $0x12  }
0x175: {  	_ =	swait.ge @!p0 [sflag:s0], s1  }
0x176: {  	s1 =	ssub.s32 @!p0 $0x0, s1;
	[sflag:s0] =	ssyncset.done @!p0 $0x0  }
0x177: {  	[sflag:s0] =	ssyncadd.s32 @!p0 s1  }
0x178: {  	[bflag:$0x3] =	sbarrier.arrive $0xFFFF  }
0x179: {  	_ =	shalt  }

</sc_bundles>
